<compile_context>
chip_gen: v7x
topology: tpu7x:2x2x1
jax: 0.10.2.dev20260603
libtpu: 0.0.44.dev20260713+nightly
codegen_flags: <defaults>
</compile_context>

<pallas_src>
import functools

import jax
import jax.numpy as jnp
from jax import lax
from jax.experimental import pallas as pl
from jax.experimental.pallas import tpu as pltpu
from jax.experimental.pallas import tpu_sc as plsc

_S = 32


def kernel(padded_input, lengths):
    B, L, D = padded_input.shape
    x2d = padded_input.reshape(B * L, D)
    lens32 = lengths.astype(jnp.int32)

    info = plsc.get_sparse_core_info()
    NC, NS = info.num_cores, info.num_subcores
    assert NC * NS == _S and B == 16 and NC == 2

    half = _S // 2
    quarter = half // 2

    mesh = plsc.VectorSubcoreMesh(core_axis_name="c", subcore_axis_name="s")

    @functools.partial(
        pl.kernel,
        mesh=mesh,
        out_type=jax.ShapeDtypeStruct((B, _S * D + 1), jnp.float32),
        scratch_types=[
            pltpu.VMEM((B,), jnp.int32),
            pltpu.VMEM((16,), jnp.int32),
            pltpu.VMEM((16,), jnp.int32),
            pltpu.VMEM((16, D), jnp.float32),
            pltpu.VMEM((16, D), jnp.float32),
            pltpu.VMEM((half * D,), jnp.float32),
            pltpu.VMEM((B, 1), jnp.float32),
            pltpu.SemaphoreType.DMA,
            pltpu.SemaphoreType.DMA,
        ],
        compiler_params=pltpu.CompilerParams(
            needs_layout_passes=False,
            skip_device_barrier=True,
            disable_bounds_checks=True,
            disable_semaphore_checks=True,
        ),
    )
    def run(x_hbm, len_hbm, out_hbm, lens_v, idx_a_v, idx_b_v,
            rows_a_v, rows_b_v, out_v, col_v, sem_a, sem_b):
        r = lax.axis_index("s")
        h = lax.axis_index("c")

        pltpu.sync_copy(len_hbm, lens_v)
        lens = lens_v[...]

        def vgather(vec, idx):
            return lax.gather(
                vec, idx.reshape(16, 1).astype(jnp.int32),
                dimension_numbers=lax.GatherDimensionNumbers(
                    offset_dims=(), collapsed_slice_dims=(0,),
                    start_index_map=(0,)),
                slice_sizes=(1,),
                mode=lax.GatherScatterMode.PROMISE_IN_BOUNDS)

        def splat(x):
            return jnp.broadcast_to(x, (16,)).astype(jnp.int32)

        len_b = vgather(lens, splat(r))
        g = jnp.minimum(len_b & (-len_b), _S)
        step = len_b // g
        biota = lax.iota(jnp.int32, 16)
        kvec = biota + splat(h * half)
        j = kvec * step
        scale = g.astype(jnp.float32) * (1.0 / _S)
        pos = (j.astype(jnp.float32) + 0.5) * scale - 0.5
        pos = jnp.clip(pos, 0.0, (len_b - 1).astype(jnp.float32))
        lo = pos.astype(jnp.int32)
        hi = jnp.minimum(lo + 1, len_b - 1)
        w = pos - lo.astype(jnp.float32)

        glo = splat(r * L) + lo
        ghi = splat(r * L) + hi
        first = biota < quarter
        idx_a_v[...] = jnp.where(first, glo, vgather(ghi, (biota - quarter) & 15))
        idx_b_v[...] = jnp.where(first, vgather(glo, (biota + quarter) & 15), ghi)
        copy_a = pltpu.async_copy(x_hbm.at[idx_a_v], rows_a_v, sem_a)
        copy_b = pltpu.async_copy(x_hbm.at[idx_b_v], rows_b_v, sem_b)

        @pl.when((r == 0) & (h == 0))
        def _():
            plsc.store_scatter(
                col_v, [biota, jnp.zeros((16,), jnp.int32)],
                lens.astype(jnp.float32))
            pltpu.sync_copy(col_v, out_hbm.at[:, pl.ds(_S * D, 1)])

        eighth = quarter // 2
        cps = eighth * (D // 16)

        def lerp_block(rows_ref, s0, o0):
            @plsc.parallel_loop(0, cps, unroll=8)
            def _lerp(i):
                s = (i >> 4) + (s0 & (quarter - 1))
                sl = pl.ds(o0 * D + i * 16, 16)
                lo_ch = rows_ref[s, pl.ds((i & 15) * 16, 16)]
                hi_ch = rows_ref[quarter + s, pl.ds((i & 15) * 16, 16)]
                out_v[sl] = lo_ch + vgather(w, splat(s0 + (i >> 4))) * (
                    hi_ch - lo_ch)

            return pltpu.async_copy(
                out_v.at[pl.ds(o0 * D, eighth * D)],
                out_hbm.at[r, pl.ds((h * half + o0) * D, eighth * D)],
                sem_a if o0 < quarter else sem_b)

        copy_a.wait()
        out1 = lerp_block(rows_a_v, 0, 0)
        out2 = lerp_block(rows_a_v, eighth, eighth)
        copy_b.wait()
        out3 = lerp_block(rows_b_v, quarter, quarter)
        out4 = lerp_block(rows_b_v, quarter + eighth, quarter + eighth)
        out1.wait()
        out2.wait()
        out3.wait()
        out4.wait()

    return run(x2d, lens32)

# --- scband reference (transcript-rebuilt; emitter-appended) ---
"""Pipeline reference for scband-resample-5463198401148 (READ-ONLY COPY).

The authoritative reference and input builder live on the scoring server;
editing this copy changes nothing except your own understanding.
"""

import jax, jax.numpy as jnp
import numpy as np
import math

NUM_SAMPLES = 32

def _upsample_linear(seq, out_size):
    # PyTorch Upsample(mode='linear', align_corners=False) along the time axis.
    # seq: [l, d] -> [out_size, d]
    l = seq.shape[0]
    scale = l / out_size
    pos = (jnp.arange(out_size, dtype=jnp.float32) + 0.5) * scale - 0.5
    pos = jnp.clip(pos, 0.0, float(l - 1))
    lo = jnp.floor(pos).astype(jnp.int32)
    hi = jnp.minimum(lo + 1, l - 1)
    w = (pos - lo.astype(jnp.float32))[:, None]
    return seq[lo] * (1.0 - w) + seq[hi] * w

def setup_inputs(seed: int = 0):
    key = jax.random.key(seed)
    k1, k2 = jax.random.split(key)
    B, L, D = 16, 4096, 256
    padded_input = jax.random.normal(k1, (B, L, D), dtype=jnp.float32)
    # pad_packed_sequence yields lengths sorted descending with max == padded L
    lengths = jnp.sort(jax.random.randint(k2, (B,), 1, L + 1))[::-1]
    lengths = lengths.at[0].set(L)
    return {"padded_input": padded_input, "lengths": lengths}

def reference(padded_input, lengths):
    B, L, D = padded_input.shape
    lens = lengths.astype(jnp.int32)
    # gcd(l, NUM_SAMPLES): NUM_SAMPLES is a power of two, so gcd is the
    # smaller of NUM_SAMPLES and the largest power of two dividing l.
    g = jnp.minimum(lens & (-lens), NUM_SAMPLES)          # [B]
    step = lens // g                                      # lcm // NUM_SAMPLES, [B]
    k = jnp.arange(NUM_SAMPLES, dtype=jnp.int32)
    j = k[None, :] * step[:, None]                        # sampled upsample indices, [B, S]
    # scale = l / lcm = g / NUM_SAMPLES, exact power-of-two fraction in float32
    scale = g.astype(jnp.float32) / NUM_SAMPLES           # [B]
    pos = (j.astype(jnp.float32) + 0.5) * scale[:, None] - 0.5
    last = (lens - 1).astype(jnp.float32)[:, None]
    pos = jnp.clip(pos, 0.0, last)
    lo = jnp.floor(pos).astype(jnp.int32)
    hi = jnp.minimum(lo + 1, (lens - 1)[:, None])
    w = (pos - lo.astype(jnp.float32))[..., None]         # [B, S, 1]
    seq_lo = jnp.take_along_axis(padded_input, lo[..., None], axis=1)  # [B, S, D]
    seq_hi = jnp.take_along_axis(padded_input, hi[..., None], axis=1)  # [B, S, D]
    up = seq_lo * (1.0 - w) + seq_hi * w                  # [B, S, D]
    out = up.reshape(B, NUM_SAMPLES * D)                  # [B, NUM_SAMPLES * d]
    # no_length=False: append float lengths as last feature
    out = jnp.concatenate([out, lens.astype(jnp.float32)[:, None]], axis=-1)
    return out

if __name__ == "__main__":
    import jax
    _d = setup_inputs()
    print(jax.jit(kernel)(*tuple(_d.values())))

</pallas_src>

<mosaic_0001>
#map = affine_map<(d0, d1) -> (0, 0)>
#map1 = affine_map<(d0, d1) -> (0)>
module attributes {stable_mosaic.version = 14 : i64} {
  func.func @run(%arg0: i32, %arg1: i32, %arg2: memref<65536x256xf32, #tpu.memory_space<hbm>>, %arg3: memref<16xi32, #tpu.memory_space<hbm>>, %arg4: memref<16x8193xf32, #tpu.memory_space<hbm>>, %arg5: memref<16xi32, #tpu.memory_space<vmem>>, %arg6: memref<16xi32, #tpu.memory_space<vmem>>, %arg7: memref<16xi32, #tpu.memory_space<vmem>>, %arg8: memref<16x256xf32, #tpu.memory_space<vmem>>, %arg9: memref<16x256xf32, #tpu.memory_space<vmem>>, %arg10: memref<4096xf32, #tpu.memory_space<vmem>>, %arg11: memref<16x1xf32, #tpu.memory_space<vmem>>, %arg12: memref<!tpu.dma_semaphore, #tpu.memory_space<semaphore_mem>>, %arg13: memref<!tpu.dma_semaphore, #tpu.memory_space<semaphore_mem>>) attributes {dimension_semantics = [#tpu.dimension_semantics<core_parallel>, #tpu.dimension_semantics<subcore_parallel>], iteration_bounds = array<i64: 2, 16>, scalar_prefetch = 0 : i64, scratch_operands = 9 : i64, tpu.core_type = #tpu.core_type<sc_vector_subcore>, window_params = [{transform_indices = #map}, {transform_indices = #map1}, {transform_indices = #map}]} {
    "tpu.region"() ({
      %run_scoped3A = tpu.sem_alloc : memref<!tpu.dma_semaphore, #tpu.memory_space<semaphore_mem>>
      tpu.enqueue_dma source(%arg3 : memref<16xi32, #tpu.memory_space<hbm>>) target(%arg5 : memref<16xi32, #tpu.memory_space<vmem>>) target_semaphore(%run_scoped3A : memref<!tpu.dma_semaphore, #tpu.memory_space<semaphore_mem>>)
      tpu.wait_dma2 semaphore(%run_scoped3A : memref<!tpu.dma_semaphore, #tpu.memory_space<semaphore_mem>>) src(%arg3 : memref<16xi32, #tpu.memory_space<hbm>>) dst(%arg5 : memref<16xi32, #tpu.memory_space<vmem>>)
      tpu.yield
    }) : () -> ()
    %get3A = arith.constant 0 : index
    %get3A_0 = tpu.vector_load %arg5[%get3A] {strides = array<i32>} : memref<16xi32, #tpu.memory_space<vmem>>, vector<16xi32>,
    %broadcast_in_dim3A = vector.broadcast %arg1 : i32 to vector<16xi32>
    %reshape3A = vector.shape_cast %broadcast_in_dim3A : vector<16xi32> to vector<16x1xi32>
    %gather3A = vector.shape_cast %reshape3A : vector<16x1xi32> to vector<16xi32>
    %gather3A_1 = tpu.dynamic_gather %get3A_0[%gather3A] in [0] : vector<16xi32>, vector<16xi32> -> vector<16xi32>
    %neg3A = arith.constant 0 : i32
    %neg3A_2 = vector.broadcast %neg3A : i32 to vector<16xi32>
    %neg3A_3 = arith.subi %neg3A_2, %gather3A_1 : vector<16xi32>
    %and3A = arith.andi %gather3A_1, %neg3A_3 : vector<16xi32>
    %min3A = arith.constant 32 : i32
    %min3A_4 = vector.broadcast %min3A : i32 to vector<16xi32>
    %min3A_5 = arith.minsi %and3A, %min3A_4 : vector<16xi32>
    %div3A = arith.divsi %gather3A_1, %min3A_5 : vector<16xi32>
    %sign3A = arith.constant 0 : i32
    %sign3A_6 = vector.broadcast %sign3A : i32 to vector<16xi32>
    %sign3A_7 = arith.cmpi sgt, %gather3A_1, %sign3A_6 : vector<16xi32>
    %sign3A_8 = arith.extui %sign3A_7 : vector<16xi1> to vector<16xi32>
    %sign3A_9 = arith.constant 0 : i32
    %sign3A_10 = vector.broadcast %sign3A_9 : i32 to vector<16xi32>
    %sign3A_11 = arith.cmpi slt, %gather3A_1, %sign3A_10 : vector<16xi32>
    %sign3A_12 = arith.extui %sign3A_11 : vector<16xi1> to vector<16xi32>
    %sign3A_13 = arith.subi %sign3A_8, %sign3A_12 : vector<16xi32>
    %sign3A_14 = arith.constant 0 : i32
    %sign3A_15 = vector.broadcast %sign3A_14 : i32 to vector<16xi32>
    %sign3A_16 = arith.cmpi sgt, %min3A_5, %sign3A_15 : vector<16xi32>
    %sign3A_17 = arith.extui %sign3A_16 : vector<16xi1> to vector<16xi32>
    %sign3A_18 = arith.constant 0 : i32
    %sign3A_19 = vector.broadcast %sign3A_18 : i32 to vector<16xi32>
    %sign3A_20 = arith.cmpi slt, %min3A_5, %sign3A_19 : vector<16xi32>
    %sign3A_21 = arith.extui %sign3A_20 : vector<16xi1> to vector<16xi32>
    %sign3A_22 = arith.subi %sign3A_17, %sign3A_21 : vector<16xi32>
    %ne3A = arith.cmpi ne, %sign3A_13, %sign3A_22 : vector<16xi32>
    %rem3A = arith.remsi %gather3A_1, %min3A_5 : vector<16xi32>
    %ne3A_23 = arith.constant 0 : i32
    %ne3A_24 = vector.broadcast %ne3A_23 : i32 to vector<16xi32>
    %ne3A_25 = arith.cmpi ne, %rem3A, %ne3A_24 : vector<16xi32>
    %and3A_26 = arith.andi %ne3A, %ne3A_25 : vector<16xi1>
    %sub3A = arith.constant 1 : i32
    %sub3A_27 = vector.broadcast %sub3A : i32 to vector<16xi32>
    %sub3A_28 = arith.subi %div3A, %sub3A_27 : vector<16xi32>
    %select_n3A = arith.select %and3A_26, %sub3A_28, %div3A : vector<16xi1>, vector<16xi32>
    %iota3A = tpu.iota {dimensions = array<i32: 0>} : vector<16xi32>
    %mul3A = arith.constant 16 : i32
    %mul3A_29 = arith.muli %arg0, %mul3A : i32
    %broadcast_in_dim3A_30 = vector.broadcast %mul3A_29 : i32 to vector<16xi32>
    %add3A = arith.addi %iota3A, %broadcast_in_dim3A_30 : vector<16xi32>
    %mul3A_31 = arith.muli %add3A, %select_n3A : vector<16xi32>
    %convert_element_type3A = arith.sitofp %min3A_5 : vector<16xi32> to vector<16xf32>
    %mul3A_32 = arith.constant 3.125000e-02 : f32
    %mul3A_33 = vector.broadcast %mul3A_32 : f32 to vector<16xf32>
    %mul3A_34 = arith.mulf %convert_element_type3A, %mul3A_33 : vector<16xf32>
    %convert_element_type3A_35 = arith.sitofp %mul3A_31 : vector<16xi32> to vector<16xf32>
    %add3A_36 = arith.constant 5.000000e-01 : f32
    %add3A_37 = vector.broadcast %add3A_36 : f32 to vector<16xf32>
    %add3A_38 = arith.addf %convert_element_type3A_35, %add3A_37 : vector<16xf32>
    %mul3A_39 = arith.mulf %add3A_38, %mul3A_34 : vector<16xf32>
    %sub3A_40 = arith.constant 5.000000e-01 : f32
    %sub3A_41 = vector.broadcast %sub3A_40 : f32 to vector<16xf32>
    %sub3A_42 = arith.subf %mul3A_39, %sub3A_41 : vector<16xf32>
    %sub3A_43 = arith.constant 1 : i32
    %sub3A_44 = vector.broadcast %sub3A_43 : i32 to vector<16xi32>
    %sub3A_45 = arith.subi %gather3A_1, %sub3A_44 : vector<16xi32>
    %convert_element_type3A_46 = arith.sitofp %sub3A_45 : vector<16xi32> to vector<16xf32>
    %jit3A = arith.constant 0.000000e+00 : f32
    %max3A = vector.broadcast %jit3A : f32 to vector<16xf32>
    %max3A_47 = arith.maximumf %max3A, %sub3A_42 : vector<16xf32>
    %min3A_48 = arith.minimumf %convert_element_type3A_46, %max3A_47 : vector<16xf32>
    %convert_element_type3A_49 = arith.fptosi %min3A_48 : vector<16xf32> to vector<16xi32>
    %add3A_50 = arith.constant 1 : i32
    %add3A_51 = vector.broadcast %add3A_50 : i32 to vector<16xi32>
    %add3A_52 = arith.addi %convert_element_type3A_49, %add3A_51 : vector<16xi32>
    %sub3A_53 = arith.constant 1 : i32
    %sub3A_54 = vector.broadcast %sub3A_53 : i32 to vector<16xi32>
    %sub3A_55 = arith.subi %gather3A_1, %sub3A_54 : vector<16xi32>
    %min3A_56 = arith.minsi %add3A_52, %sub3A_55 : vector<16xi32>
    %convert_element_type3A_57 = arith.sitofp %convert_element_type3A_49 : vector<16xi32> to vector<16xf32>
    %sub3A_58 = arith.subf %min3A_48, %convert_element_type3A_57 : vector<16xf32>
    %mul3A_59 = arith.constant 4096 : i32
    %mul3A_60 = arith.muli %arg1, %mul3A_59 : i32
    %broadcast_in_dim3A_61 = vector.broadcast %mul3A_60 : i32 to vector<16xi32>
    %add3A_62 = arith.addi %broadcast_in_dim3A_61, %convert_element_type3A_49 : vector<16xi32>
    %mul3A_63 = arith.constant 4096 : i32
    %mul3A_64 = arith.muli %arg1, %mul3A_63 : i32
    %broadcast_in_dim3A_65 = vector.broadcast %mul3A_64 : i32 to vector<16xi32>
    %add3A_66 = arith.addi %broadcast_in_dim3A_65, %min3A_56 : vector<16xi32>
    %lt3A = arith.constant 8 : i32
    %lt3A_67 = vector.broadcast %lt3A : i32 to vector<16xi32>
    %lt3A_68 = arith.cmpi slt, %iota3A, %lt3A_67 : vector<16xi32>
    %sub3A_69 = arith.constant 8 : i32
    %sub3A_70 = vector.broadcast %sub3A_69 : i32 to vector<16xi32>
    %sub3A_71 = arith.subi %iota3A, %sub3A_70 : vector<16xi32>
    %and3A_72 = arith.constant 15 : i32
    %and3A_73 = vector.broadcast %and3A_72 : i32 to vector<16xi32>
    %and3A_74 = arith.andi %sub3A_71, %and3A_73 : vector<16xi32>
    %reshape3A_75 = vector.shape_cast %and3A_74 : vector<16xi32> to vector<16x1xi32>
    %gather3A_76 = vector.shape_cast %reshape3A_75 : vector<16x1xi32> to vector<16xi32>
    %gather3A_77 = tpu.dynamic_gather %add3A_66[%gather3A_76] in [0] : vector<16xi32>, vector<16xi32> -> vector<16xi32>
    %select_n3A_78 = arith.select %lt3A_68, %add3A_62, %gather3A_77 : vector<16xi1>, vector<16xi32>
    %swap3A = arith.constant 0 : index
    %swap3A_79 = tpu.vector_load %arg6[%swap3A] {strides = array<i32>} : memref<16xi32, #tpu.memory_space<vmem>>, vector<16xi32>,
    tpu.vector_store %arg6[%swap3A], %select_n3A_78 {strides = array<i32>} : memref<16xi32, #tpu.memory_space<vmem>>, vector<16xi32>,
    %add3A_80 = arith.constant 8 : i32
    %add3A_81 = vector.broadcast %add3A_80 : i32 to vector<16xi32>
    %add3A_82 = arith.addi %iota3A, %add3A_81 : vector<16xi32>
    %and3A_83 = arith.constant 15 : i32
    %and3A_84 = vector.broadcast %and3A_83 : i32 to vector<16xi32>
    %and3A_85 = arith.andi %add3A_82, %and3A_84 : vector<16xi32>
    %reshape3A_86 = vector.shape_cast %and3A_85 : vector<16xi32> to vector<16x1xi32>
    %gather3A_87 = vector.shape_cast %reshape3A_86 : vector<16x1xi32> to vector<16xi32>
    %gather3A_88 = tpu.dynamic_gather %add3A_62[%gather3A_87] in [0] : vector<16xi32>, vector<16xi32> -> vector<16xi32>
    %select_n3A_89 = arith.select %lt3A_68, %gather3A_88, %add3A_66 : vector<16xi1>, vector<16xi32>
    %swap3A_90 = arith.constant 0 : index
    %swap3A_91 = tpu.vector_load %arg7[%swap3A_90] {strides = array<i32>} : memref<16xi32, #tpu.memory_space<vmem>>, vector<16xi32>,
    tpu.vector_store %arg7[%swap3A_90], %select_n3A_89 {strides = array<i32>} : memref<16xi32, #tpu.memory_space<vmem>>, vector<16xi32>,
    %dma_start3A = arith.constant 0 : i32
    %dma_start3A_92 = arith.constant 0 : i32
    %dma_start3A_93 = tpu.memref_slice %arg2[%dma_start3A, %dma_start3A_92] : memref<65536x256xf32, #tpu.memory_space<hbm>> -> memref<65536x256xf32, #tpu.memory_space<hbm>>
    tpu.enqueue_indirect_dma source(%dma_start3A_93 : memref<65536x256xf32, #tpu.memory_space<hbm>>) target(%arg8 : memref<16x256xf32, #tpu.memory_space<vmem>>) offsets(%arg6 : memref<16xi32, #tpu.memory_space<vmem>>) semaphore(%arg12 : memref<!tpu.dma_semaphore, #tpu.memory_space<semaphore_mem>>)
    %dma_start3A_94 = arith.constant 0 : i32
    %dma_start3A_95 = arith.constant 0 : i32
    %dma_start3A_96 = tpu.memref_slice %arg2[%dma_start3A_94, %dma_start3A_95] : memref<65536x256xf32, #tpu.memory_space<hbm>> -> memref<65536x256xf32, #tpu.memory_space<hbm>>
    tpu.enqueue_indirect_dma source(%dma_start3A_96 : memref<65536x256xf32, #tpu.memory_space<hbm>>) target(%arg9 : memref<16x256xf32, #tpu.memory_space<vmem>>) offsets(%arg7 : memref<16xi32, #tpu.memory_space<vmem>>) semaphore(%arg13 : memref<!tpu.dma_semaphore, #tpu.memory_space<semaphore_mem>>)
    %eq3A = arith.constant 0 : i32
    %eq3A_97 = arith.cmpi eq, %arg1, %eq3A : i32
    %eq3A_98 = arith.constant 0 : i32
    %eq3A_99 = arith.cmpi eq, %arg0, %eq3A_98 : i32
    %and3A_100 = arith.andi %eq3A_97, %eq3A_99 : i1
    %convert_element_type3A_101 = arith.extui %and3A_100 : i1 to i32
    %cond3A = arith.constant 0 : i32
    %cond3A_102 = arith.cmpi ne, %convert_element_type3A_101, %cond3A : i32
    scf.if %cond3A_102 {
      %broadcast_in_dim3A_207 = arith.constant 0 : i32
      %broadcast_in_dim3A_208 = vector.broadcast %broadcast_in_dim3A_207 : i32 to vector<16xi32>
      %convert_element_type3A_209 = arith.sitofp %get3A_0 : vector<16xi32> to vector<16xf32>
      tpu.vector_store_idx %arg11[%iota3A, %broadcast_in_dim3A_208], %convert_element_type3A_209 : memref<16x1xf32, #tpu.memory_space<vmem>>[vector<16xi32>, vector<16xi32>], vector<16xf32>,
      "tpu.region"() ({
        %run_scoped3A = tpu.sem_alloc : memref<!tpu.dma_semaphore, #tpu.memory_space<semaphore_mem>>
        %dma_start3A_210 = arith.constant 0 : i32
        %dma_start3A_211 = arith.constant 8192 : i32
        %dma_start3A_212 = tpu.memref_slice %arg4[%dma_start3A_210, %dma_start3A_211] : memref<16x8193xf32, #tpu.memory_space<hbm>> -> memref<16x1xf32, #tpu.memory_space<hbm>>
        %dma_start3A_213 = arith.constant 0 : i32
        %dma_start3A_214 = arith.constant 8192 : i32
        %dma_start3A_215 = tpu.memref_slice %arg4[%dma_start3A_213, %dma_start3A_214] : memref<16x8193xf32, #tpu.memory_space<hbm>> -> memref<16x1xf32, #tpu.memory_space<hbm>>
        tpu.enqueue_dma source(%arg11 : memref<16x1xf32, #tpu.memory_space<vmem>>) target(%dma_start3A_215 : memref<16x1xf32, #tpu.memory_space<hbm>>) target_semaphore(%run_scoped3A : memref<!tpu.dma_semaphore, #tpu.memory_space<semaphore_mem>>)
        %dma_wait3A_216 = arith.constant 0 : i32
        %dma_wait3A_217 = arith.constant 8192 : i32
        %dma_wait3A_218 = tpu.memref_slice %arg4[%dma_wait3A_216, %dma_wait3A_217] : memref<16x8193xf32, #tpu.memory_space<hbm>> -> memref<16x1xf32, #tpu.memory_space<hbm>>
        %dma_wait3A_219 = arith.constant 0 : i32
        %dma_wait3A_220 = arith.constant 8192 : i32
        %dma_wait3A_221 = tpu.memref_slice %arg4[%dma_wait3A_219, %dma_wait3A_220] : memref<16x8193xf32, #tpu.memory_space<hbm>> -> memref<16x1xf32, #tpu.memory_space<hbm>>
        tpu.wait_dma2 semaphore(%run_scoped3A : memref<!tpu.dma_semaphore, #tpu.memory_space<semaphore_mem>>) src(%arg11 : memref<16x1xf32, #tpu.memory_space<vmem>>) dst(%dma_wait3A_221 : memref<16x1xf32, #tpu.memory_space<hbm>>)
        tpu.yield
      }) : () -> ()
    } else {
    }
    %dma_wait3A = arith.constant 0 : i32
    %dma_wait3A_103 = arith.constant 0 : i32
    %dma_wait3A_104 = tpu.memref_slice %arg2[%dma_wait3A, %dma_wait3A_103] : memref<65536x256xf32, #tpu.memory_space<hbm>> -> memref<65536x256xf32, #tpu.memory_space<hbm>>
    tpu.wait_indirect_dma semaphore(%arg12 : memref<!tpu.dma_semaphore, #tpu.memory_space<semaphore_mem>>) src(%dma_wait3A_104 : memref<65536x256xf32, #tpu.memory_space<hbm>>) dst(%arg8 : memref<16x256xf32, #tpu.memory_space<vmem>>)
    %parallel_loop3A = arith.constant 0 : i32
    %parallel_loop3A_105 = arith.constant 64 : i32
    %parallel_loop3A_106 = arith.constant 1 : i32
    scf.for %parallel_loop3A_207 = %parallel_loop3A to %parallel_loop3A_105 step %parallel_loop3A_106  : i32 {
      %parallel_loop3A_208 = arith.constant 4 : i32
      %parallel_loop3A_209 = arith.shrsi %parallel_loop3A_207, %parallel_loop3A_208 : i32
      %parallel_loop3A_210 = arith.constant 0 : i32
      %parallel_loop3A_211 = arith.addi %parallel_loop3A_209, %parallel_loop3A_210 : i32
      %parallel_loop3A_212 = arith.constant 16 : i32
      %parallel_loop3A_213 = arith.muli %parallel_loop3A_207, %parallel_loop3A_212 : i32
      %parallel_loop3A_214 = arith.constant 0 : i32
      %parallel_loop3A_215 = arith.addi %parallel_loop3A_214, %parallel_loop3A_213 : i32
      %parallel_loop3A_216 = arith.constant 15 : i32
      %parallel_loop3A_217 = arith.andi %parallel_loop3A_207, %parallel_loop3A_216 : i32
      %parallel_loop3A_218 = arith.constant 16 : i32
      %parallel_loop3A_219 = arith.muli %parallel_loop3A_217, %parallel_loop3A_218 : i32
      %parallel_loop3A_220 = arith.index_cast %parallel_loop3A_211 : i32 to index
      %parallel_loop3A_221 = arith.index_cast %parallel_loop3A_219 : i32 to index
      %parallel_loop3A_222 = tpu.vector_load %arg8[%parallel_loop3A_220, %parallel_loop3A_221] {strides = array<i32>} : memref<16x256xf32, #tpu.memory_space<vmem>>, vector<16xf32>,
      %parallel_loop3A_223 = arith.constant 8 : i32
      %parallel_loop3A_224 = arith.addi %parallel_loop3A_223, %parallel_loop3A_211 : i32
      %parallel_loop3A_225 = arith.constant 15 : i32
      %parallel_loop3A_226 = arith.andi %parallel_loop3A_207, %parallel_loop3A_225 : i32
      %parallel_loop3A_227 = arith.constant 16 : i32
      %parallel_loop3A_228 = arith.muli %parallel_loop3A_226, %parallel_loop3A_227 : i32
      %parallel_loop3A_229 = arith.index_cast %parallel_loop3A_224 : i32 to index
      %parallel_loop3A_230 = arith.index_cast %parallel_loop3A_228 : i32 to index
      %parallel_loop3A_231 = tpu.vector_load %arg8[%parallel_loop3A_229, %parallel_loop3A_230] {strides = array<i32>} : memref<16x256xf32, #tpu.memory_space<vmem>>, vector<16xf32>,
      %parallel_loop3A_232 = arith.constant 4 : i32
      %parallel_loop3A_233 = arith.shrsi %parallel_loop3A_207, %parallel_loop3A_232 : i32
      %parallel_loop3A_234 = arith.constant 0 : i32
      %parallel_loop3A_235 = arith.addi %parallel_loop3A_234, %parallel_loop3A_233 : i32
      %parallel_loop3A_236 = vector.broadcast %parallel_loop3A_235 : i32 to vector<16xi32>
      %parallel_loop3A_237 = vector.shape_cast %parallel_loop3A_236 : vector<16xi32> to vector<16x1xi32>
      %parallel_loop3A_238 = vector.shape_cast %parallel_loop3A_237 : vector<16x1xi32> to vector<16xi32>
      %parallel_loop3A_239 = tpu.dynamic_gather %sub3A_58[%parallel_loop3A_238] in [0] : vector<16xf32>, vector<16xi32> -> vector<16xf32>
      %parallel_loop3A_240 = arith.subf %parallel_loop3A_231, %parallel_loop3A_222 : vector<16xf32>
      %parallel_loop3A_241 = arith.mulf %parallel_loop3A_239, %parallel_loop3A_240 : vector<16xf32>
      %parallel_loop3A_242 = arith.addf %parallel_loop3A_222, %parallel_loop3A_241 : vector<16xf32>
      %parallel_loop3A_243 = arith.index_cast %parallel_loop3A_215 : i32 to index
      %parallel_loop3A_244 = tpu.vector_load %arg10[%parallel_loop3A_243] {strides = array<i32>} : memref<4096xf32, #tpu.memory_space<vmem>>, vector<16xf32>,
      tpu.vector_store %arg10[%parallel_loop3A_243], %parallel_loop3A_242 {strides = array<i32>} : memref<4096xf32, #tpu.memory_space<vmem>>, vector<16xf32>,
    } {sc.loop_unroll_factor = 8 : i64, sc.parallel_access}
    %mul3A_107 = arith.constant 16 : i32
    %mul3A_108 = arith.muli %arg0, %mul3A_107 : i32
    %add3A_109 = arith.constant 0 : i32
    %add3A_110 = arith.addi %mul3A_108, %add3A_109 : i32
    %mul3A_111 = arith.constant 256 : i32
    %mul3A_112 = arith.muli %add3A_110, %mul3A_111 : i32
    %dma_start3A_113 = arith.constant 0 : i32
    %dma_start3A_114 = tpu.memref_slice %arg10[%dma_start3A_113] : memref<4096xf32, #tpu.memory_space<vmem>> -> memref<1024xf32, #tpu.memory_space<vmem>>
    %dma_start3A_115 = tpu.memref_slice %arg4[%arg1, %mul3A_112] : memref<16x8193xf32, #tpu.memory_space<hbm>> -> memref<1x1024xf32, #tpu.memory_space<hbm>>
    %dma_start3A_116 = tpu.memref_squeeze %dma_start3A_115 : memref<1x1024xf32, #tpu.memory_space<hbm>> -> memref<1024xf32, #tpu.memory_space<hbm>>
    %dma_start3A_117 = tpu.memref_slice %arg4[%arg1, %mul3A_112] : memref<16x8193xf32, #tpu.memory_space<hbm>> -> memref<1x1024xf32, #tpu.memory_space<hbm>>
    %dma_start3A_118 = tpu.memref_squeeze %dma_start3A_117 : memref<1x1024xf32, #tpu.memory_space<hbm>> -> memref<1024xf32, #tpu.memory_space<hbm>>
    %dma_start3A_119 = arith.constant 0 : i32
    %dma_start3A_120 = tpu.memref_slice %arg10[%dma_start3A_119] : memref<4096xf32, #tpu.memory_space<vmem>> -> memref<1024xf32, #tpu.memory_space<vmem>>
    tpu.enqueue_dma source(%dma_start3A_120 : memref<1024xf32, #tpu.memory_space<vmem>>) target(%dma_start3A_118 : memref<1024xf32, #tpu.memory_space<hbm>>) target_semaphore(%arg12 : memref<!tpu.dma_semaphore, #tpu.memory_space<semaphore_mem>>)
    %parallel_loop3A_121 = arith.constant 0 : i32
    %parallel_loop3A_122 = arith.constant 64 : i32
    %parallel_loop3A_123 = arith.constant 1 : i32
    scf.for %parallel_loop3A_207 = %parallel_loop3A_121 to %parallel_loop3A_122 step %parallel_loop3A_123  : i32 {
      %parallel_loop3A_208 = arith.constant 4 : i32
      %parallel_loop3A_209 = arith.shrsi %parallel_loop3A_207, %parallel_loop3A_208 : i32
      %parallel_loop3A_210 = arith.constant 4 : i32
      %parallel_loop3A_211 = arith.addi %parallel_loop3A_209, %parallel_loop3A_210 : i32
      %parallel_loop3A_212 = arith.constant 16 : i32
      %parallel_loop3A_213 = arith.muli %parallel_loop3A_207, %parallel_loop3A_212 : i32
      %parallel_loop3A_214 = arith.constant 1024 : i32
      %parallel_loop3A_215 = arith.addi %parallel_loop3A_214, %parallel_loop3A_213 : i32
      %parallel_loop3A_216 = arith.constant 15 : i32
      %parallel_loop3A_217 = arith.andi %parallel_loop3A_207, %parallel_loop3A_216 : i32
      %parallel_loop3A_218 = arith.constant 16 : i32
      %parallel_loop3A_219 = arith.muli %parallel_loop3A_217, %parallel_loop3A_218 : i32
      %parallel_loop3A_220 = arith.index_cast %parallel_loop3A_211 : i32 to index
      %parallel_loop3A_221 = arith.index_cast %parallel_loop3A_219 : i32 to index
      %parallel_loop3A_222 = tpu.vector_load %arg8[%parallel_loop3A_220, %parallel_loop3A_221] {strides = array<i32>} : memref<16x256xf32, #tpu.memory_space<vmem>>, vector<16xf32>,
      %parallel_loop3A_223 = arith.constant 8 : i32
      %parallel_loop3A_224 = arith.addi %parallel_loop3A_223, %parallel_loop3A_211 : i32
      %parallel_loop3A_225 = arith.constant 15 : i32
      %parallel_loop3A_226 = arith.andi %parallel_loop3A_207, %parallel_loop3A_225 : i32
      %parallel_loop3A_227 = arith.constant 16 : i32
      %parallel_loop3A_228 = arith.muli %parallel_loop3A_226, %parallel_loop3A_227 : i32
      %parallel_loop3A_229 = arith.index_cast %parallel_loop3A_224 : i32 to index
      %parallel_loop3A_230 = arith.index_cast %parallel_loop3A_228 : i32 to index
      %parallel_loop3A_231 = tpu.vector_load %arg8[%parallel_loop3A_229, %parallel_loop3A_230] {strides = array<i32>} : memref<16x256xf32, #tpu.memory_space<vmem>>, vector<16xf32>,
      %parallel_loop3A_232 = arith.constant 4 : i32
      %parallel_loop3A_233 = arith.shrsi %parallel_loop3A_207, %parallel_loop3A_232 : i32
      %parallel_loop3A_234 = arith.constant 4 : i32
      %parallel_loop3A_235 = arith.addi %parallel_loop3A_234, %parallel_loop3A_233 : i32
      %parallel_loop3A_236 = vector.broadcast %parallel_loop3A_235 : i32 to vector<16xi32>
      %parallel_loop3A_237 = vector.shape_cast %parallel_loop3A_236 : vector<16xi32> to vector<16x1xi32>
      %parallel_loop3A_238 = vector.shape_cast %parallel_loop3A_237 : vector<16x1xi32> to vector<16xi32>
      %parallel_loop3A_239 = tpu.dynamic_gather %sub3A_58[%parallel_loop3A_238] in [0] : vector<16xf32>, vector<16xi32> -> vector<16xf32>
      %parallel_loop3A_240 = arith.subf %parallel_loop3A_231, %parallel_loop3A_222 : vector<16xf32>
      %parallel_loop3A_241 = arith.mulf %parallel_loop3A_239, %parallel_loop3A_240 : vector<16xf32>
      %parallel_loop3A_242 = arith.addf %parallel_loop3A_222, %parallel_loop3A_241 : vector<16xf32>
      %parallel_loop3A_243 = arith.index_cast %parallel_loop3A_215 : i32 to index
      %parallel_loop3A_244 = tpu.vector_load %arg10[%parallel_loop3A_243] {strides = array<i32>} : memref<4096xf32, #tpu.memory_space<vmem>>, vector<16xf32>,
      tpu.vector_store %arg10[%parallel_loop3A_243], %parallel_loop3A_242 {strides = array<i32>} : memref<4096xf32, #tpu.memory_space<vmem>>, vector<16xf32>,
    } {sc.loop_unroll_factor = 8 : i64, sc.parallel_access}
    %mul3A_124 = arith.constant 16 : i32
    %mul3A_125 = arith.muli %arg0, %mul3A_124 : i32
    %add3A_126 = arith.constant 4 : i32
    %add3A_127 = arith.addi %mul3A_125, %add3A_126 : i32
    %mul3A_128 = arith.constant 256 : i32
    %mul3A_129 = arith.muli %add3A_127, %mul3A_128 : i32
    %dma_start3A_130 = arith.constant 1024 : i32
    %dma_start3A_131 = tpu.memref_slice %arg10[%dma_start3A_130] : memref<4096xf32, #tpu.memory_space<vmem>> -> memref<1024xf32, #tpu.memory_space<vmem>>
    %dma_start3A_132 = tpu.memref_slice %arg4[%arg1, %mul3A_129] : memref<16x8193xf32, #tpu.memory_space<hbm>> -> memref<1x1024xf32, #tpu.memory_space<hbm>>
    %dma_start3A_133 = tpu.memref_squeeze %dma_start3A_132 : memref<1x1024xf32, #tpu.memory_space<hbm>> -> memref<1024xf32, #tpu.memory_space<hbm>>
    %dma_start3A_134 = tpu.memref_slice %arg4[%arg1, %mul3A_129] : memref<16x8193xf32, #tpu.memory_space<hbm>> -> memref<1x1024xf32, #tpu.memory_space<hbm>>
    %dma_start3A_135 = tpu.memref_squeeze %dma_start3A_134 : memref<1x1024xf32, #tpu.memory_space<hbm>> -> memref<1024xf32, #tpu.memory_space<hbm>>
    %dma_start3A_136 = arith.constant 1024 : i32
    %dma_start3A_137 = tpu.memref_slice %arg10[%dma_start3A_136] : memref<4096xf32, #tpu.memory_space<vmem>> -> memref<1024xf32, #tpu.memory_space<vmem>>
    tpu.enqueue_dma source(%dma_start3A_137 : memref<1024xf32, #tpu.memory_space<vmem>>) target(%dma_start3A_135 : memref<1024xf32, #tpu.memory_space<hbm>>) target_semaphore(%arg12 : memref<!tpu.dma_semaphore, #tpu.memory_space<semaphore_mem>>)
    %dma_wait3A_138 = arith.constant 0 : i32
    %dma_wait3A_139 = arith.constant 0 : i32
    %dma_wait3A_140 = tpu.memref_slice %arg2[%dma_wait3A_138, %dma_wait3A_139] : memref<65536x256xf32, #tpu.memory_space<hbm>> -> memref<65536x256xf32, #tpu.memory_space<hbm>>
    tpu.wait_indirect_dma semaphore(%arg13 : memref<!tpu.dma_semaphore, #tpu.memory_space<semaphore_mem>>) src(%dma_wait3A_140 : memref<65536x256xf32, #tpu.memory_space<hbm>>) dst(%arg9 : memref<16x256xf32, #tpu.memory_space<vmem>>)
    %parallel_loop3A_141 = arith.constant 0 : i32
    %parallel_loop3A_142 = arith.constant 64 : i32
    %parallel_loop3A_143 = arith.constant 1 : i32
    scf.for %parallel_loop3A_207 = %parallel_loop3A_141 to %parallel_loop3A_142 step %parallel_loop3A_143  : i32 {
      %parallel_loop3A_208 = arith.constant 4 : i32
      %parallel_loop3A_209 = arith.shrsi %parallel_loop3A_207, %parallel_loop3A_208 : i32
      %parallel_loop3A_210 = arith.constant 0 : i32
      %parallel_loop3A_211 = arith.addi %parallel_loop3A_209, %parallel_loop3A_210 : i32
      %parallel_loop3A_212 = arith.constant 16 : i32
      %parallel_loop3A_213 = arith.muli %parallel_loop3A_207, %parallel_loop3A_212 : i32
      %parallel_loop3A_214 = arith.constant 2048 : i32
      %parallel_loop3A_215 = arith.addi %parallel_loop3A_214, %parallel_loop3A_213 : i32
      %parallel_loop3A_216 = arith.constant 15 : i32
      %parallel_loop3A_217 = arith.andi %parallel_loop3A_207, %parallel_loop3A_216 : i32
      %parallel_loop3A_218 = arith.constant 16 : i32
      %parallel_loop3A_219 = arith.muli %parallel_loop3A_217, %parallel_loop3A_218 : i32
      %parallel_loop3A_220 = arith.index_cast %parallel_loop3A_211 : i32 to index
      %parallel_loop3A_221 = arith.index_cast %parallel_loop3A_219 : i32 to index
      %parallel_loop3A_222 = tpu.vector_load %arg9[%parallel_loop3A_220, %parallel_loop3A_221] {strides = array<i32>} : memref<16x256xf32, #tpu.memory_space<vmem>>, vector<16xf32>,
      %parallel_loop3A_223 = arith.constant 8 : i32
      %parallel_loop3A_224 = arith.addi %parallel_loop3A_223, %parallel_loop3A_211 : i32
      %parallel_loop3A_225 = arith.constant 15 : i32
      %parallel_loop3A_226 = arith.andi %parallel_loop3A_207, %parallel_loop3A_225 : i32
      %parallel_loop3A_227 = arith.constant 16 : i32
      %parallel_loop3A_228 = arith.muli %parallel_loop3A_226, %parallel_loop3A_227 : i32
      %parallel_loop3A_229 = arith.index_cast %parallel_loop3A_224 : i32 to index
      %parallel_loop3A_230 = arith.index_cast %parallel_loop3A_228 : i32 to index
      %parallel_loop3A_231 = tpu.vector_load %arg9[%parallel_loop3A_229, %parallel_loop3A_230] {strides = array<i32>} : memref<16x256xf32, #tpu.memory_space<vmem>>, vector<16xf32>,
      %parallel_loop3A_232 = arith.constant 4 : i32
      %parallel_loop3A_233 = arith.shrsi %parallel_loop3A_207, %parallel_loop3A_232 : i32
      %parallel_loop3A_234 = arith.constant 8 : i32
      %parallel_loop3A_235 = arith.addi %parallel_loop3A_234, %parallel_loop3A_233 : i32
      %parallel_loop3A_236 = vector.broadcast %parallel_loop3A_235 : i32 to vector<16xi32>
      %parallel_loop3A_237 = vector.shape_cast %parallel_loop3A_236 : vector<16xi32> to vector<16x1xi32>
      %parallel_loop3A_238 = vector.shape_cast %parallel_loop3A_237 : vector<16x1xi32> to vector<16xi32>
      %parallel_loop3A_239 = tpu.dynamic_gather %sub3A_58[%parallel_loop3A_238] in [0] : vector<16xf32>, vector<16xi32> -> vector<16xf32>
      %parallel_loop3A_240 = arith.subf %parallel_loop3A_231, %parallel_loop3A_222 : vector<16xf32>
      %parallel_loop3A_241 = arith.mulf %parallel_loop3A_239, %parallel_loop3A_240 : vector<16xf32>
      %parallel_loop3A_242 = arith.addf %parallel_loop3A_222, %parallel_loop3A_241 : vector<16xf32>
      %parallel_loop3A_243 = arith.index_cast %parallel_loop3A_215 : i32 to index
      %parallel_loop3A_244 = tpu.vector_load %arg10[%parallel_loop3A_243] {strides = array<i32>} : memref<4096xf32, #tpu.memory_space<vmem>>, vector<16xf32>,
      tpu.vector_store %arg10[%parallel_loop3A_243], %parallel_loop3A_242 {strides = array<i32>} : memref<4096xf32, #tpu.memory_space<vmem>>, vector<16xf32>,
    } {sc.loop_unroll_factor = 8 : i64, sc.parallel_access}
    %mul3A_144 = arith.constant 16 : i32
    %mul3A_145 = arith.muli %arg0, %mul3A_144 : i32
    %add3A_146 = arith.constant 8 : i32
    %add3A_147 = arith.addi %mul3A_145, %add3A_146 : i32
    %mul3A_148 = arith.constant 256 : i32
    %mul3A_149 = arith.muli %add3A_147, %mul3A_148 : i32
    %dma_start3A_150 = arith.constant 2048 : i32
    %dma_start3A_151 = tpu.memref_slice %arg10[%dma_start3A_150] : memref<4096xf32, #tpu.memory_space<vmem>> -> memref<1024xf32, #tpu.memory_space<vmem>>
    %dma_start3A_152 = tpu.memref_slice %arg4[%arg1, %mul3A_149] : memref<16x8193xf32, #tpu.memory_space<hbm>> -> memref<1x1024xf32, #tpu.memory_space<hbm>>
    %dma_start3A_153 = tpu.memref_squeeze %dma_start3A_152 : memref<1x1024xf32, #tpu.memory_space<hbm>> -> memref<1024xf32, #tpu.memory_space<hbm>>
    %dma_start3A_154 = tpu.memref_slice %arg4[%arg1, %mul3A_149] : memref<16x8193xf32, #tpu.memory_space<hbm>> -> memref<1x1024xf32, #tpu.memory_space<hbm>>
    %dma_start3A_155 = tpu.memref_squeeze %dma_start3A_154 : memref<1x1024xf32, #tpu.memory_space<hbm>> -> memref<1024xf32, #tpu.memory_space<hbm>>
    %dma_start3A_156 = arith.constant 2048 : i32
    %dma_start3A_157 = tpu.memref_slice %arg10[%dma_start3A_156] : memref<4096xf32, #tpu.memory_space<vmem>> -> memref<1024xf32, #tpu.memory_space<vmem>>
    tpu.enqueue_dma source(%dma_start3A_157 : memref<1024xf32, #tpu.memory_space<vmem>>) target(%dma_start3A_155 : memref<1024xf32, #tpu.memory_space<hbm>>) target_semaphore(%arg13 : memref<!tpu.dma_semaphore, #tpu.memory_space<semaphore_mem>>)
    %parallel_loop3A_158 = arith.constant 0 : i32
    %parallel_loop3A_159 = arith.constant 64 : i32
    %parallel_loop3A_160 = arith.constant 1 : i32
    scf.for %parallel_loop3A_207 = %parallel_loop3A_158 to %parallel_loop3A_159 step %parallel_loop3A_160  : i32 {
      %parallel_loop3A_208 = arith.constant 4 : i32
      %parallel_loop3A_209 = arith.shrsi %parallel_loop3A_207, %parallel_loop3A_208 : i32
      %parallel_loop3A_210 = arith.constant 4 : i32
      %parallel_loop3A_211 = arith.addi %parallel_loop3A_209, %parallel_loop3A_210 : i32
      %parallel_loop3A_212 = arith.constant 16 : i32
      %parallel_loop3A_213 = arith.muli %parallel_loop3A_207, %parallel_loop3A_212 : i32
      %parallel_loop3A_214 = arith.constant 3072 : i32
      %parallel_loop3A_215 = arith.addi %parallel_loop3A_214, %parallel_loop3A_213 : i32
      %parallel_loop3A_216 = arith.constant 15 : i32
      %parallel_loop3A_217 = arith.andi %parallel_loop3A_207, %parallel_loop3A_216 : i32
      %parallel_loop3A_218 = arith.constant 16 : i32
      %parallel_loop3A_219 = arith.muli %parallel_loop3A_217, %parallel_loop3A_218 : i32
      %parallel_loop3A_220 = arith.index_cast %parallel_loop3A_211 : i32 to index
      %parallel_loop3A_221 = arith.index_cast %parallel_loop3A_219 : i32 to index
      %parallel_loop3A_222 = tpu.vector_load %arg9[%parallel_loop3A_220, %parallel_loop3A_221] {strides = array<i32>} : memref<16x256xf32, #tpu.memory_space<vmem>>, vector<16xf32>,
      %parallel_loop3A_223 = arith.constant 8 : i32
      %parallel_loop3A_224 = arith.addi %parallel_loop3A_223, %parallel_loop3A_211 : i32
      %parallel_loop3A_225 = arith.constant 15 : i32
      %parallel_loop3A_226 = arith.andi %parallel_loop3A_207, %parallel_loop3A_225 : i32
      %parallel_loop3A_227 = arith.constant 16 : i32
      %parallel_loop3A_228 = arith.muli %parallel_loop3A_226, %parallel_loop3A_227 : i32
      %parallel_loop3A_229 = arith.index_cast %parallel_loop3A_224 : i32 to index
      %parallel_loop3A_230 = arith.index_cast %parallel_loop3A_228 : i32 to index
      %parallel_loop3A_231 = tpu.vector_load %arg9[%parallel_loop3A_229, %parallel_loop3A_230] {strides = array<i32>} : memref<16x256xf32, #tpu.memory_space<vmem>>, vector<16xf32>,
      %parallel_loop3A_232 = arith.constant 4 : i32
      %parallel_loop3A_233 = arith.shrsi %parallel_loop3A_207, %parallel_loop3A_232 : i32
      %parallel_loop3A_234 = arith.constant 12 : i32
      %parallel_loop3A_235 = arith.addi %parallel_loop3A_234, %parallel_loop3A_233 : i32
      %parallel_loop3A_236 = vector.broadcast %parallel_loop3A_235 : i32 to vector<16xi32>
      %parallel_loop3A_237 = vector.shape_cast %parallel_loop3A_236 : vector<16xi32> to vector<16x1xi32>
      %parallel_loop3A_238 = vector.shape_cast %parallel_loop3A_237 : vector<16x1xi32> to vector<16xi32>
      %parallel_loop3A_239 = tpu.dynamic_gather %sub3A_58[%parallel_loop3A_238] in [0] : vector<16xf32>, vector<16xi32> -> vector<16xf32>
      %parallel_loop3A_240 = arith.subf %parallel_loop3A_231, %parallel_loop3A_222 : vector<16xf32>
      %parallel_loop3A_241 = arith.mulf %parallel_loop3A_239, %parallel_loop3A_240 : vector<16xf32>
      %parallel_loop3A_242 = arith.addf %parallel_loop3A_222, %parallel_loop3A_241 : vector<16xf32>
      %parallel_loop3A_243 = arith.index_cast %parallel_loop3A_215 : i32 to index
      %parallel_loop3A_244 = tpu.vector_load %arg10[%parallel_loop3A_243] {strides = array<i32>} : memref<4096xf32, #tpu.memory_space<vmem>>, vector<16xf32>,
      tpu.vector_store %arg10[%parallel_loop3A_243], %parallel_loop3A_242 {strides = array<i32>} : memref<4096xf32, #tpu.memory_space<vmem>>, vector<16xf32>,
    } {sc.loop_unroll_factor = 8 : i64, sc.parallel_access}
    %mul3A_161 = arith.constant 16 : i32
    %mul3A_162 = arith.muli %arg0, %mul3A_161 : i32
    %add3A_163 = arith.constant 12 : i32
    %add3A_164 = arith.addi %mul3A_162, %add3A_163 : i32
    %mul3A_165 = arith.constant 256 : i32
    %mul3A_166 = arith.muli %add3A_164, %mul3A_165 : i32
    %dma_start3A_167 = arith.constant 3072 : i32
    %dma_start3A_168 = tpu.memref_slice %arg10[%dma_start3A_167] : memref<4096xf32, #tpu.memory_space<vmem>> -> memref<1024xf32, #tpu.memory_space<vmem>>
    %dma_start3A_169 = tpu.memref_slice %arg4[%arg1, %mul3A_166] : memref<16x8193xf32, #tpu.memory_space<hbm>> -> memref<1x1024xf32, #tpu.memory_space<hbm>>
    %dma_start3A_170 = tpu.memref_squeeze %dma_start3A_169 : memref<1x1024xf32, #tpu.memory_space<hbm>> -> memref<1024xf32, #tpu.memory_space<hbm>>
    %dma_start3A_171 = tpu.memref_slice %arg4[%arg1, %mul3A_166] : memref<16x8193xf32, #tpu.memory_space<hbm>> -> memref<1x1024xf32, #tpu.memory_space<hbm>>
    %dma_start3A_172 = tpu.memref_squeeze %dma_start3A_171 : memref<1x1024xf32, #tpu.memory_space<hbm>> -> memref<1024xf32, #tpu.memory_space<hbm>>
    %dma_start3A_173 = arith.constant 3072 : i32
    %dma_start3A_174 = tpu.memref_slice %arg10[%dma_start3A_173] : memref<4096xf32, #tpu.memory_space<vmem>> -> memref<1024xf32, #tpu.memory_space<vmem>>
    tpu.enqueue_dma source(%dma_start3A_174 : memref<1024xf32, #tpu.memory_space<vmem>>) target(%dma_start3A_172 : memref<1024xf32, #tpu.memory_space<hbm>>) target_semaphore(%arg13 : memref<!tpu.dma_semaphore, #tpu.memory_space<semaphore_mem>>)
    %dma_wait3A_175 = arith.constant 0 : i32
    %dma_wait3A_176 = tpu.memref_slice %arg10[%dma_wait3A_175] : memref<4096xf32, #tpu.memory_space<vmem>> -> memref<1024xf32, #tpu.memory_space<vmem>>
    %dma_wait3A_177 = tpu.memref_slice %arg4[%arg1, %mul3A_112] : memref<16x8193xf32, #tpu.memory_space<hbm>> -> memref<1x1024xf32, #tpu.memory_space<hbm>>
    %dma_wait3A_178 = tpu.memref_squeeze %dma_wait3A_177 : memref<1x1024xf32, #tpu.memory_space<hbm>> -> memref<1024xf32, #tpu.memory_space<hbm>>
    %dma_wait3A_179 = tpu.memref_slice %arg4[%arg1, %mul3A_112] : memref<16x8193xf32, #tpu.memory_space<hbm>> -> memref<1x1024xf32, #tpu.memory_space<hbm>>
    %dma_wait3A_180 = tpu.memref_squeeze %dma_wait3A_179 : memref<1x1024xf32, #tpu.memory_space<hbm>> -> memref<1024xf32, #tpu.memory_space<hbm>>
    %dma_wait3A_181 = arith.constant 0 : i32
    %dma_wait3A_182 = tpu.memref_slice %arg10[%dma_wait3A_181] : memref<4096xf32, #tpu.memory_space<vmem>> -> memref<1024xf32, #tpu.memory_space<vmem>>
    tpu.wait_dma2 semaphore(%arg12 : memref<!tpu.dma_semaphore, #tpu.memory_space<semaphore_mem>>) src(%dma_wait3A_182 : memref<1024xf32, #tpu.memory_space<vmem>>) dst(%dma_wait3A_180 : memref<1024xf32, #tpu.memory_space<hbm>>)
    %dma_wait3A_183 = arith.constant 1024 : i32
    %dma_wait3A_184 = tpu.memref_slice %arg10[%dma_wait3A_183] : memref<4096xf32, #tpu.memory_space<vmem>> -> memref<1024xf32, #tpu.memory_space<vmem>>
    %dma_wait3A_185 = tpu.memref_slice %arg4[%arg1, %mul3A_129] : memref<16x8193xf32, #tpu.memory_space<hbm>> -> memref<1x1024xf32, #tpu.memory_space<hbm>>
    %dma_wait3A_186 = tpu.memref_squeeze %dma_wait3A_185 : memref<1x1024xf32, #tpu.memory_space<hbm>> -> memref<1024xf32, #tpu.memory_space<hbm>>
    %dma_wait3A_187 = tpu.memref_slice %arg4[%arg1, %mul3A_129] : memref<16x8193xf32, #tpu.memory_space<hbm>> -> memref<1x1024xf32, #tpu.memory_space<hbm>>
    %dma_wait3A_188 = tpu.memref_squeeze %dma_wait3A_187 : memref<1x1024xf32, #tpu.memory_space<hbm>> -> memref<1024xf32, #tpu.memory_space<hbm>>
    %dma_wait3A_189 = arith.constant 1024 : i32
    %dma_wait3A_190 = tpu.memref_slice %arg10[%dma_wait3A_189] : memref<4096xf32, #tpu.memory_space<vmem>> -> memref<1024xf32, #tpu.memory_space<vmem>>
    tpu.wait_dma2 semaphore(%arg12 : memref<!tpu.dma_semaphore, #tpu.memory_space<semaphore_mem>>) src(%dma_wait3A_190 : memref<1024xf32, #tpu.memory_space<vmem>>) dst(%dma_wait3A_188 : memref<1024xf32, #tpu.memory_space<hbm>>)
    %dma_wait3A_191 = arith.constant 2048 : i32
    %dma_wait3A_192 = tpu.memref_slice %arg10[%dma_wait3A_191] : memref<4096xf32, #tpu.memory_space<vmem>> -> memref<1024xf32, #tpu.memory_space<vmem>>
    %dma_wait3A_193 = tpu.memref_slice %arg4[%arg1, %mul3A_149] : memref<16x8193xf32, #tpu.memory_space<hbm>> -> memref<1x1024xf32, #tpu.memory_space<hbm>>
    %dma_wait3A_194 = tpu.memref_squeeze %dma_wait3A_193 : memref<1x1024xf32, #tpu.memory_space<hbm>> -> memref<1024xf32, #tpu.memory_space<hbm>>
    %dma_wait3A_195 = tpu.memref_slice %arg4[%arg1, %mul3A_149] : memref<16x8193xf32, #tpu.memory_space<hbm>> -> memref<1x1024xf32, #tpu.memory_space<hbm>>
    %dma_wait3A_196 = tpu.memref_squeeze %dma_wait3A_195 : memref<1x1024xf32, #tpu.memory_space<hbm>> -> memref<1024xf32, #tpu.memory_space<hbm>>
    %dma_wait3A_197 = arith.constant 2048 : i32
    %dma_wait3A_198 = tpu.memref_slice %arg10[%dma_wait3A_197] : memref<4096xf32, #tpu.memory_space<vmem>> -> memref<1024xf32, #tpu.memory_space<vmem>>
    tpu.wait_dma2 semaphore(%arg13 : memref<!tpu.dma_semaphore, #tpu.memory_space<semaphore_mem>>) src(%dma_wait3A_198 : memref<1024xf32, #tpu.memory_space<vmem>>) dst(%dma_wait3A_196 : memref<1024xf32, #tpu.memory_space<hbm>>)
    %dma_wait3A_199 = arith.constant 3072 : i32
    %dma_wait3A_200 = tpu.memref_slice %arg10[%dma_wait3A_199] : memref<4096xf32, #tpu.memory_space<vmem>> -> memref<1024xf32, #tpu.memory_space<vmem>>
    %dma_wait3A_201 = tpu.memref_slice %arg4[%arg1, %mul3A_166] : memref<16x8193xf32, #tpu.memory_space<hbm>> -> memref<1x1024xf32, #tpu.memory_space<hbm>>
    %dma_wait3A_202 = tpu.memref_squeeze %dma_wait3A_201 : memref<1x1024xf32, #tpu.memory_space<hbm>> -> memref<1024xf32, #tpu.memory_space<hbm>>
    %dma_wait3A_203 = tpu.memref_slice %arg4[%arg1, %mul3A_166] : memref<16x8193xf32, #tpu.memory_space<hbm>> -> memref<1x1024xf32, #tpu.memory_space<hbm>>
    %dma_wait3A_204 = tpu.memref_squeeze %dma_wait3A_203 : memref<1x1024xf32, #tpu.memory_space<hbm>> -> memref<1024xf32, #tpu.memory_space<hbm>>
    %dma_wait3A_205 = arith.constant 3072 : i32
    %dma_wait3A_206 = tpu.memref_slice %arg10[%dma_wait3A_205] : memref<4096xf32, #tpu.memory_space<vmem>> -> memref<1024xf32, #tpu.memory_space<vmem>>
    tpu.wait_dma2 semaphore(%arg13 : memref<!tpu.dma_semaphore, #tpu.memory_space<semaphore_mem>>) src(%dma_wait3A_206 : memref<1024xf32, #tpu.memory_space<vmem>>) dst(%dma_wait3A_204 : memref<1024xf32, #tpu.memory_space<hbm>>)
    return
  }
}

</mosaic_0001>

<sc_bundles>
// kernel: kernel.3.cloned.1.call-start
scs
__scs_entry_jumppad:
0x0: {  	(pc) =	sbr.rel $0x88, $3  }
0x1: {  	(tag) =	ssettag $0x0;
	lr =	simm.s32 $0x1  }
0x2: {  	[smem:$0x3F9F] =	sst lr;
	_ =	strace $0xD0000000  }
0x3: {  	_ = 	snop  }
0x4: {  	_ = 	snop  }
0x5: {  	_ = 	snop  }
0x6: {  	_ = 	snop  }
0x7: {  	_ = 	snop  }
__scs_overlays_trampoline_lowered:
0x8: {  	[smem:$0x3FAE] =	sst s0  }
0x9: {  	[smem:$0x3FAF] =	sst s1  }
0xa: {  	[smem:$0x3FB0] =	sst s2  }
0xb: {  	[smem:$0x3FB1] =	sst s3  }
0xc: {  	[smem:$0x3FB2] =	sst s4  }
0xd: {  	[smem:$0x3FB3] =	sst s5  }
0xe: {  	[smem:$0x3FB4] =	sst s6  }
0xf: {  	[smem:$0x3FB5] =	sst s7  }
0x10: {  	[smem:$0x3FB6] =	sst s8  }
0x11: {  	[smem:$0x3FB7] =	sst s9;
	s0 =	simm.s32 @!p0 $0x0  }
0x12: {  	s1 =	sld [smem:$0x3F9D];
	s0 =	simm.s32 @p0 $0x1  }
0x13: {  	[smem:$0x3FB8] =	sst s0;
	s0 =	simm.s32 @!p1 $0x0  }
0x14: {  	s2 =	sld [smem:$0x3F9C];
	s0 =	simm.s32 @p1 $0x1  }
0x15: {  	[smem:$0x3FB9] =	sst s0;
	s0 =	simm.s32 @!p2 $0x0  }
0x16: {  	s3 =	sld [smem:$0x3FDB];
	s0 =	simm.s32 @p2 $0x1  }
0x17: {  	s4 =	simm.s32 $0x1BF5;
	[smem:$0x3FBB] =	sst s0  }
0x18: {  	s0 =	sld [smem:$0x3F9E];
	_ =	swait.ge [sflag:s4], $0x0  }
0x19: {  	s7 =	sld [smem:$0x3F9F]  }
0x1a: {  	s8 =	sadd.s32 $0xFFFFE003, lr  }
0x1b: {  	s9 =	sadd.s32 $0xFFFFFEF7, lr;
	s5 =	simm.s32 $0xFFFFFFFF;
	p2 =	slt.u32 s8, $0xFFFFF086  }
0x1c: {  	p1 =	slt.u32 s9, $0xF7A;
	s5 =	simm.s32 @!p2 $0x0  }
0x1d: {  	s5 =	simm.s32 @p1 $0x1;
	p0 =	seq.s32 s7, s2  }
0x1e: {  	s7 =	smul.u32 @!p0 $0xF7A, s2;
	p2 =	seq.s32 @!p0 s5, $0x0  }
0x1f: {  	s9 =	smul.u32 $0xF7A, s1;
	s8 =	simm.s32 @!p0 $0x1BF5;
	p2 =	por !p2, p0  }
0x20: {  	[sflag:s8] =	ssyncset.s32 @!p0 $0xFFFFF086;
	s6 =	sadd.s32 @!p0 s3, s7;
	s7 =	simm.s32 @!p0 $0x108  }
0x21: {  	s3 =	sadd.s32 s3, s9;
	s6 =	sadd.s32 @!p0 $0x88, s6;
	s7 =	simm.s32 @p2 $0x1082  }
0x22: {  	[simem:s7], [sflag:s8] =	dma.local @!p0 [hbm:s6], $0xF7A  }
0x23: {  	s9 =	sor.u32 $0xD0000000, s2;
	s6 =	simm.s32 $0x108;
	_ =	swait.ge @!p0 [sflag:s8], $0x0  }
0x24: {  	s3 =	sadd.s32 $0x88, s3;
	s6 =	simm.s32 @!p1 $0x1082;
	[sflag:s4] =	ssyncset.s32 $0xFFFFF086  }
0x25: {  	[simem:s6], [sflag:s4] =	dma.local [hbm:s3], $0xF7A  }
0x26: {  	[smem:$0x3F9F] =	sst s1;
	(tag) =	ssettag s2;
	_ =	strace s9  }
0x27: {  	s1 =	sld [smem:$0x3FAF]  }
0x28: {  	s2 =	sld [smem:$0x3FB0]  }
0x29: {  	s4 =	sld [smem:$0x3FB2]  }
0x2a: {  	p0 =	seq.s32 s5, $0x0;
	s5 =	sld [smem:$0x3FB3]  }
0x2b: {  	s6 =	sld [smem:$0x3FB4]  }
0x2c: {  	s7 =	sld [smem:$0x3FB5]  }
0x2d: {  	s3 =	simm.s32 $0x108;
	s8 =	sld [smem:$0x3FB6]  }
0x2e: {  	s3 =	simm.s32 @!p0 $0x1082;
	s9 =	sld [smem:$0x3FB7]  }
0x2f: {  	lr =	sadd.s32 s0, s3;
	s0 =	sld [smem:$0x3FAE]  }
0x30: {  	s3 =	sld [smem:$0x3FB1]  }
0x31: {  	[smem:$0x3FBA] =	sst s10  }
0x32: {  	s10 =	sld [smem:$0x3FB8];
	_ =	sdelay $0x3  }
0x33: {  	p0 =	seq.s32 s10, $0x1;
	s10 =	sld [smem:$0x3FBA];
	_ =	sdelay $0x3  }
0x34: {  	[smem:$0x3FBA] =	sst s10  }
0x35: {  	s10 =	sld [smem:$0x3FB9];
	_ =	sdelay $0x3  }
0x36: {  	p1 =	seq.s32 s10, $0x1;
	s10 =	sld [smem:$0x3FBA];
	_ =	sdelay $0x3  }
0x37: {  	[smem:$0x3FBA] =	sst s10  }
0x38: {  	s10 =	sld [smem:$0x3FBB]  }
0x39: {  	_ = 	snop;
	(pc) =	sbr.ind lr, $3  }
0x3a: {  	_ = 	snop  }
0x3b: {  	_ = 	snop  }
0x3c: {  	p2 =	seq.s32 s10, $0x1;
	s10 =	sld [smem:$0x3FBA]  }
0x3d: {  	_ =	shalt  }
0x3e: {  	_ =	shalt  }
0x3f: {  	_ =	shalt  }
0x40: {  	_ =	shalt  }
0x41: {  	_ =	shalt  }
0x42: {  	_ =	shalt  }
0x43: {  	_ =	shalt  }
0x44: {  	_ =	shalt  }
0x45: {  	_ =	shalt  }
0x46: {  	_ =	shalt  }
0x47: {  	_ =	shalt  }
0x48: {  	_ =	shalt  }
0x49: {  	_ =	shalt  }
0x4a: {  	_ =	shalt  }
0x4b: {  	_ =	shalt  }
0x4c: {  	_ =	shalt  }
0x4d: {  	_ =	shalt  }
0x4e: {  	_ =	shalt  }
0x4f: {  	_ =	shalt  }
0x50: {  	_ =	shalt  }
0x51: {  	_ =	shalt  }
0x52: {  	_ =	shalt  }
0x53: {  	_ =	shalt  }
0x54: {  	_ =	shalt  }
0x55: {  	_ =	shalt  }
0x56: {  	_ =	shalt  }
0x57: {  	_ =	shalt  }
0x58: {  	_ =	shalt  }
0x59: {  	_ =	shalt  }
0x5a: {  	_ =	shalt  }
0x5b: {  	_ =	shalt  }
0x5c: {  	_ =	shalt  }
0x5d: {  	_ =	shalt  }
0x5e: {  	_ =	shalt  }
0x5f: {  	_ =	shalt  }
0x60: {  	_ =	shalt  }
0x61: {  	_ =	shalt  }
0x62: {  	_ =	shalt  }
0x63: {  	_ =	shalt  }
0x64: {  	_ =	shalt  }
0x65: {  	_ =	shalt  }
0x66: {  	_ =	shalt  }
0x67: {  	_ =	shalt  }
0x68: {  	_ =	shalt  }
0x69: {  	_ =	shalt  }
0x6a: {  	_ =	shalt  }
0x6b: {  	_ =	shalt  }
0x6c: {  	_ =	shalt  }
0x6d: {  	_ =	shalt  }
0x6e: {  	_ =	shalt  }
0x6f: {  	_ =	shalt  }
0x70: {  	_ =	shalt  }
0x71: {  	_ =	shalt  }
0x72: {  	_ =	shalt  }
0x73: {  	_ =	shalt  }
0x74: {  	_ =	shalt  }
0x75: {  	_ =	shalt  }
0x76: {  	_ =	shalt  }
0x77: {  	_ =	shalt  }
0x78: {  	_ =	shalt  }
0x79: {  	_ =	shalt  }
0x7a: {  	_ =	shalt  }
0x7b: {  	_ =	shalt  }
0x7c: {  	_ =	shalt  }
0x7d: {  	_ =	shalt  }
0x7e: {  	_ =	shalt  }
0x7f: {  	_ =	shalt  }
0x80: {  	_ =	shalt  }
0x81: {  	_ =	shalt  }
0x82: {  	_ =	shalt  }
0x83: {  	_ =	shalt  }
0x84: {  	_ =	shalt  }
0x85: {  	_ =	shalt  }
0x86: {  	_ =	shalt  }
0x87: {  	_ =	shalt  }
.Lfunc_end0:
.L_simem_size_0:
called_computation_lowered:
.L_overlay_start_0:
0x88: {  	s2 =	sld [smem:$0x3FD9]  }
0x89: {  	s3 =	sld [smem:$0x3FFE];
	_ =	sdelay $0x1  }
0x8a: {  	s1 =	srdreg.scid  }
0x8b: {  	s0 =	sand.u32 $0x1, s1  }
0x8c: {  	s18 =	sshll.u32 s0, $0xA;
	s2 =	sadd.s32 s3, s2  }
0x8d: {  	s2 =	sadd.s32 s2, s18  }
0x8e: {  	[smem:$0x3FC6] =	sst s2  }
0x8f: {  	_ = 	snop  }
0x90: {  	s2 =	sld [smem:$0x3FC9]  }
0x91: {  	s19 =	sld [smem:$0x3FC8]  }
0x92: {  	s4 =	sld [smem:$0x3FD0];
	(tm) =	ssettm $0x1  }
0x93: {  	s5 =	sld [smem:$0x3FFB];
	_ =	sdelay $0x3  }
0x94: {  	_ =	strace s5  }
0x95: {  	s5 =	sld [smem:$0x3FFC];
	_ =	sdelay $0x3  }
0x96: {  	_ =	strace s5  }
0x97: {  	s5 =	sld [smem:$0x3FFD];
	_ =	sdelay $0x3  }
0x98: {  	_ =	strace s5  }
0x99: {  	_ =	strace $0x8FFFFFFF  }
0x9a: {  	s20 =	sld [smem:$0x3FDB];
	_ =	sdelay $0x1  }
0x9b: {  	s6 =	simm.s32 $_scs_section_size  }
0x9c: {  	s7 =	simm.s32 $_size__tile_overlayer_lowered;
	s8 =	simm.s32 $_tile_overlayer_lowered  }
0x9d: {  	s23 =	simm.s32 $0x1BFF;
	s22 =	sshll.u32 s8, $0x1;
	s5 =	sadd.s32 s6, s20  }
0x9e: {  	s9 =	simm.s32 $0x0;
	s21 =	sshll.u32 s7, $0x1;
	s7 =	sadd.s32 s22, s5  }
0x9f: {  	[timem:s9], [sflag:s23] =	dma.local [hbm:s7], s21  }
0xa0: {  	_ =	swait.ge [sflag:s23], s21  }
0xa1: {  	s6 =	ssub.s32 $0x0, s21;
	[sflag:s23] =	ssyncset.done $0x0  }
0xa2: {  	[sflag:s23] =	ssyncadd.s32 s6;
	_ =	sdelay $0x1  }
0xa3: {  	s24 =	simm.s32 $0x1B8B  }
0xa4: {  	_ =	swait.ge [sflag:s24], $0x1  }
0xa5: {  	[sflag:s24] =	ssyncset.done $0x0  }
0xa6: {  	s25 =	simm.s32 $0x1B8E;
	[sflag:s24] =	ssyncadd.s32 $0xFFFFFFFF  }
0xa7: {  	s26 =	simm.s32 $execute0_lowered;
	[smem:$0x3FD2] =	sst s25  }
0xa8: {  	s6 =	sshll.u32 s26, $0x1;
	_ =	strace $0x80000046;
	[dreg:$0x1] =	wrdreg $0xFFFFFFFF  }
0xa9: {  	s28 =	simm.s32 $_size_execute0_lowered;
	s5 =	sadd.s32 s5, s6;
	[dreg:$0x0] =	wrdreg $0x0  }
0xaa: {  	s6 =	sshll.u32 s28, $0x1;
	[dreg:$0x2] =	wrdreg s5  }
0xab: {  	[dreg:$0x3] =	wrdreg s6  }
0xac: {  	[dreg:$0x4] =	wrdreg $0xC0  }
0xad: {  	_ =	task [dreg:s9], $0x5FFFF  }
0xae: {  	[dreg:$0x1] =	wrdreg $0xFFFFFFFF  }
0xaf: {  	[dreg:$0x0] =	wrdreg $0x60  }
0xb0: {  	[dreg:$0x2] =	wrdreg s2  }
0xb1: {  	[dreg:$0x3] =	wrdreg s19  }
0xb2: {  	[dreg:$0x4] =	wrdreg s4  }
0xb3: {  	[dreg:$0x5] =	wrdreg $0x9  }
0xb4: {  	_ =	task.clear_ibuf [dreg:s9], $0x6FFFF;
	_ =	strace $0x90000046  }
0xb5: {  	s29 =	simm.s32 $0x9;
	_ =	strace $0x80000048  }
0xb6: {  	_ =	swait.ge [sflag:s29], $0x1  }
0xb7: {  	[sflag:s29] =	ssyncadd.s32 $0xFFFFFFFF  }
0xb8: {  	_ =	strace $0x90000048  }
0xb9: {  	_ =	sfence  }
0xba: {  	s30 =	sld [smem:$0x0];
	_ =	sdelay $0x2  }
0xbb: {  	s31 =	sshll.u32 s1, $0xD;
	s1 =	sshrl.u32 s1, $0x2  }
0xbc: {  	s3 =	sand.u32 $0x4000, s31;
	s1 =	sadd.s32 s1, s30  }
0xbd: {  	s0 =	sor.u32 s3, s0;
	s1 =	sshll.u32 s1, $0x11  }
0xbe: {  	s0 =	sor.u32 s1, s0  }
0xbf: {  	s0 =	sadd.s32 $0x8F2B, s0  }
0xc0: {  	[sflag:s0] =	ssyncadd.remote.s32 $0x1  }
0xc1: {  	_ =	sfence.sel $0xFFFF  }
0xc2: {  	[dreg:$0x0] =	wrdreg $0xFFFFFFFF;
	(pc) =	sbr.abs _section_cstart, $3  }
0xc3: {  	[dreg:$0x1] =	wrdreg $0xFFFFFFFF  }
0xc4: {  	_ =	task.clear_ibuf [dreg:s9], $0x2FFFF;
	_ =	strace $0x9FFFFFFF  }
0xc5: {  	(tm) =	ssettm $0x7FFFFFFF  }
tec
execute0_lowered:
.L_overlay_start_1:
0x0: {  	(tag) =	ssettag $0x1  }
0x1: {  	s0 =	rddreg [dreg:$0x2];
	s1 =	srdreg.scid  }
0x2: {  	s8 =	stileid.u32;
	s3 =	simm.s32 $0x0;
	s1 =	sand.u32 $0x1, s1  }
0x3: {  	s2 =	sshrl.u32 s8, $0x3;
	[smem:$0x7FF] =	sst s3;
	s5 =	sshll.u32 s8, $0x7  }
0x4: {  	v7 =	vlaneseq.u32;
	s7 =	sshll.u32 s8, $0xC;
	s26 =	sadd.s32 $0x2000, s0;
	s2 =	smul.u32 $0x10400, s2  }
0x5: {  	v3 =	vimm.s32 $0x0;
	vm3 =	vcmask $0xF0C;
	v4 =	vimm.s32 $0xFEDCBA98;
	s23 =	ssub.s32 $0x2, s1;
	s4 =	sshll.u32 s1, $0x4;
	s6 =	sshll.u32 s1, $0xF  }
0x6: {  	vm4 =	vcmask $0x1310;
	v5 =	vimm.s32 $0x76543210;
	vm5 =	vcmask $0x1714;
	s5 =	sand.u32 $0x380, s5;
	s24 =	sshrl.u32 s23, $0x1;
	s2 =	sadd.s32 s6, s2  }
0x7: {  	vm6 =	vcmask $0x1B18;
	vm7 =	vcmask $0x1F1C;
	vm8 =	vcmask $0x2320;
	_ =	strace $0x80000047;
	s3 =	ssub.s32 s23, s24;
	s2 =	sor.u32 s5, s2  }
0x8: {  	vm9 =	vcmask $0x2724;
	vm10 =	vcmask $0x2B28;
	vm11 =	vcmask $0x2F2C;
	[dreg:$0x4] =	wrdreg s26;
	s31 =	smax.u32 s3, $0x1;
	s25 =	sshrl.u32 s2, $0x3  }
0x9: {  	vm12 =	vcmask $0x3330;
	v4 =	vunpack.c.l.s4.s8 v4;
	v1 =	vor.u32 s4, v7;
	s28 =	sadd.s32 $0x2000, s2;
	s29 =	sadd.s32 $0x4000, s2;
	s4 =	sadd.s32 s0, s25  }
0xa: {  	vm13 =	vcmask $0x3734;
	vm14 =	vcmask $0x3B38;
	v5 =	vunpack.c.l.s4.s8 v5;
	s2 =	sadd.s32 $0x6000, s2;
	[dreg:$0x5] =	wrdreg s4;
	s4 =	sshrl.u32 s28, $0x3  }
0xb: {  	vm15 =	vmmov $0xff;
	vm0 =	vmmov $0xffff;
	v4 =	vunpack.c.0.s8.s32 v4;
	[dreg:$0x9] =	wrdreg s31;
	s30 =	sshrl.u32 s29, $0x3;
	s4 =	sadd.s32 s0, s4  }
0xc: {  	v0 =	vmov s8;
	v6 =	vshrl.u32 v7, $0x3;
	v5 =	vunpack.c.0.s8.s32 v5;
	s2 =	sshrl.u32 s2, $0x3;
	[dreg:$0x6] =	wrdreg s4;
	s4 =	sadd.s32 s0, s30  }
0xd: {  	v2 =	vmov s7;
	s1 =	sor.u32 s1, s8;
	v6 =	vmul.u32 $0x8, v6;
	v4 =	vand.u32 $0xF, v4;
	s0 =	sadd.s32 s0, s2;
	[dreg:$0x7] =	wrdreg s4  }
0xe: {  	p0 =	sne.s32 s1, $0x0;
	s1 =	simm.s32 $0x0;
	v4 =	vcombine.low v4, v5;
	v5 =	vand.u32 $0x7, v7;
	v7 =	vor.u32 $0x8, v7;
	[dreg:$0x8] =	wrdreg s0  }
.LBB2_1:
0xf: {  	[dreg:$0xa] =	wrdreg s1  }
0x10: {  	s0 =	rddreg [dreg:$0x1];
	s8 =	simm.s32 $0x0;
	s9 =	simm.s32 $0x3  }
0x11: {  	[tilespmem:s8], [sflag:$0x3] =	stream.linear.gather [hbm4b:s0+s8], $0x80, $0x38;
	[tilespmem:$0x3980] =	vst v63  }
0x12: {  	_ =	swait.ge [sflag:s9], $0x80  }
0x13: {  	[sflag:s9] =	ssyncset.done $0x0  }
0x14: {  	[sflag:s9] =	ssyncadd.s32 $0xFFFFFF80  }
0x15: {  	v8 =	vld [tilespmem:$0x0];
	_ =	sdelay $0x4  }
0x16: {  	v9 =	vperm.xlane v8, v0;
	_ =	sdelay $0x1  }
0x17: {  	v10 =	vsub.s32 $0x0, v9  }
0x18: {  	v11 =	vand.u32 v10, v9  }
0x19: {  	vm1 =	vlt.s32 v11, $0x20  }
0x1a: {  	v10 =	vnsel vm1, $0x20, v11  }
0x1b: {  	(v2sf) =	vpush v10, $0x0  }
0x1c: {  	(v2sf) =	vpush v9, $0x0  }
0x1d: {  	(v2sf) =	vpush v10, $0xF  }
0x1e: {  	(v2sf) =	vpush v9, $0xF  }
0x1f: {  	(v2sf) =	vpush v10, $0x1;
	_ =	sdelay $0x1  }
0x20: {  	(v2sf) =	vpush v9, $0x1  }
0x21: {  	(v2sf) =	vpush v10, $0x2;
	_ =	sdelay $0x1  }
0x22: {  	(v2sf) =	vpush v9, $0x2;
	_ =	sdelay $0x1  }
0x23: {  	(v2sf) =	vpush v10, $0x3;
	_ =	sdelay $0x1  }
0x24: {  	(v2sf) =	vpush v9, $0x3  }
0x25: {  	(v2sf) =	vpush v10, $0x4  }
0x26: {  	s10 =	spop (v2sf)  }
0x27: {  	(v2sf) =	vpush v9, $0x4;
	s11 =	spop (v2sf);
	s6 =	sshra.s32 s10, $0x1F  }
0x28: {  	s2 =	spop (v2sf);
	[dreg:$0xb] =	wrdreg s6;
	s26 =	sshra.s32 s11, $0x1F  }
0x29: {  	(v2sf) =	vpush v10, $0x5;
	s0 =	sxor.u32 s6, s10;
	s3 =	spop (v2sf);
	s1 =	sxor.u32 s26, s11  }
0x2a: {  	(v2sf) =	vpush v9, $0x5;
	s0 =	ssub.s32 s0, s6;
	s25 =	sshra.s32 s2, $0x1F;
	s4 =	spop (v2sf)  }
0x2b: {  	s1 =	ssub.s32 s1, s26;
	s12 =	sxor.u32 s25, s2;
	s31 =	sshra.s32 s3, $0x1F  }
0x2c: {  	(v2sf) =	vpush v10, $0x6;
	s5 =	spop (v2sf);
	(drf) =	sdiv.u32 s1, s0;
	s0 =	ssub.s32 s12, s25  }
0x2d: {  	(v2sf) =	vpush v9, $0x6;
	s13 =	sxor.u32 s31, s3;
	s15 =	sshra.s32 s4, $0x1F;
	s14 =	spop (v2sf)  }
0x2e: {  	(v2sf) =	vpush v10, $0x7;
	s1 =	ssub.s32 s13, s31;
	[dreg:$0xc] =	wrdreg s15;
	s17 =	sxor.u32 s15, s4  }
0x2f: {  	s18 =	sshra.s32 s5, $0x1F;
	s16 =	spop (v2sf);
	(drf) =	sdiv.u32 s1, s0  }
0x30: {  	(v2sf) =	vpush v9, $0x7;
	s19 =	ssub.s32 s17, s15;
	s20 =	smov.u32 s18;
	s21 =	sxor.u32 s18, s5  }
0x31: {  	s23 =	sshra.s32 s14, $0x1F;
	[dreg:$0xd] =	wrdreg s20;
	s22 =	spop (v2sf)  }
0x32: {  	(v2sf) =	vpush v10, $0x8;
	s5 =	ssub.s32 s21, s20;
	[dreg:$0xe] =	wrdreg s23;
	s30 =	sxor.u32 s23, s14  }
0x33: {  	(v2sf) =	vpush v9, $0x8;
	s24 =	spop (v2sf);
	(drf) =	sdiv.u32 s5, s19;
	s1 =	ssub.s32 s30, s23  }
0x34: {  	(v2sf) =	vpush v10, $0x9;
	s30 =	sshra.s32 s16, $0x1F;
	s29 =	sshra.s32 s22, $0x1F;
	s2 =	spop (v2sf)  }
0x35: {  	s8 =	sxor.u32 s30, s16;
	s28 =	sshra.s32 s24, $0x1F;
	s4 =	sxor.u32 s29, s22  }
0x36: {  	s7 =	spop (v2sf);
	s8 =	ssub.s32 s8, s30;
	s6 =	sxor.u32 s28, s24  }
0x37: {  	s4 =	ssub.s32 s4, s29;
	s13 =	sshra.s32 s2, $0x1F;
	(drf) =	sdiv.u32 s8, s1  }
0x38: {  	s8 =	ssub.s32 s6, s28;
	s14 =	sshra.s32 s7, $0x1F;
	s9 =	spop (v2sf);
	(v2sf) =	vpush v9, $0x9  }
0x39: {  	s5 =	sxor.u32 s13, s2;
	s11 =	sxor.u32 s14, s7;
	s10 =	spop (v2sf);
	(v2sf) =	vpush v10, $0xA  }
0x3a: {  	(drf) =	sdiv.u32 s8, s4;
	s5 =	ssub.s32 s5, s13;
	s6 =	ssub.s32 s11, s14  }
0x3b: {  	(drf) =	sdiv.u32 s6, s5;
	s12 =	spop (v2sf);
	(v2sf) =	vpush v9, $0xA  }
0x3c: {  	s15 =	sshra.s32 s9, $0x1F;
	s19 =	sshra.s32 s10, $0x1F;
	s16 =	spop (v2sf);
	(v2sf) =	vpush v10, $0xB  }
0x3d: {  	s1 =	sxor.u32 s15, s9;
	s4 =	sxor.u32 s19, s10;
	s17 =	spop (v2sf);
	(v2sf) =	vpush v9, $0xB  }
0x3e: {  	s1 =	ssub.s32 s1, s15;
	s22 =	sshra.s32 s12, $0x1F;
	s4 =	ssub.s32 s4, s19  }
0x3f: {  	s18 =	sxor.u32 s22, s12;
	s23 =	sshra.s32 s16, $0x1F;
	s21 =	spop (v2sf);
	(v2sf) =	vpush v10, $0xC  }
0x40: {  	(drf) =	sdiv.u32 s4, s1;
	s1 =	ssub.s32 s18, s22;
	s20 =	sxor.u32 s23, s16  }
0x41: {  	s4 =	ssub.s32 s20, s23;
	s20 =	sshra.s32 s17, $0x1F;
	s24 =	spop (v2sf);
	(v2sf) =	vpush v9, $0xC  }
0x42: {  	s12 =	sshra.s32 s21, $0x1F;
	(drf) =	sdiv.u32 s4, s1;
	s2 =	spop (v2sf);
	(v2sf) =	vpush v10, $0xD  }
0x43: {  	s0 =	sxor.u32 s20, s17;
	s9 =	sxor.u32 s12, s21;
	s10 =	spop (v2sf);
	(v2sf) =	vpush v9, $0xD  }
0x44: {  	s6 =	sshra.s32 s24, $0x1F;
	s1 =	ssub.s32 s0, s20;
	s7 =	sshra.s32 s2, $0x1F  }
0x45: {  	s9 =	ssub.s32 s9, s12;
	s8 =	sxor.u32 s6, s24;
	s4 =	sxor.u32 s7, s2  }
0x46: {  	(drf) =	sdiv.u32 s9, s1;
	s3 =	ssub.s32 s8, s6;
	s4 =	ssub.s32 s4, s7  }
0x47: {  	s9 =	sshra.s32 s10, $0x1F;
	(drf) =	sdiv.u32 s4, s3;
	s4 =	spop (v2sf);
	(v2sf) =	vpush v10, $0xE  }
0x48: {  	s17 =	sxor.u32 s9, s10;
	s11 =	sshra.s32 s4, $0x1F;
	s5 =	spop (v2sf);
	(v2sf) =	vpush v9, $0xE  }
0x49: {  	s10 =	ssub.s32 s17, s9;
	s1 =	sxor.u32 s11, s4;
	s8 =	sshra.s32 s5, $0x1F  }
0x4a: {  	s16 =	spop (v2sf);
	s1 =	ssub.s32 s1, s11;
	s18 =	sxor.u32 s8, s5  }
0x4b: {  	s24 =	spop (v2sf);
	(drf) =	sdiv.u32 s1, s10;
	s10 =	sshra.s32 s16, $0x1F  }
0x4c: {  	s1 =	ssub.s32 s18, s8;
	s18 =	spop (v2sf);
	s17 =	sshra.s32 s24, $0x1F  }
0x4d: {  	s21 =	sxor.u32 s10, s16;
	s0 =	sxor.u32 s17, s24;
	s16 =	sshra.s32 s18, $0x1F  }
0x4e: {  	s4 =	ssub.s32 s21, s10;
	s2 =	sxor.u32 s16, s18;
	s21 =	spop (v2sf)  }
0x4f: {  	(drf) =	sdiv.u32 s4, s1;
	s1 =	ssub.s32 s0, s17;
	s4 =	ssub.s32 s2, s16  }
0x50: {  	s24 =	spop (v2sf);
	s18 =	sshra.s32 s21, $0x1F;
	(drf) =	sdiv.u32 s4, s1  }
0x51: {  	s3 =	sxor.u32 s18, s21;
	s1 =	spop (v2sf);
	s21 =	sshra.s32 s24, $0x1F  }
0x52: {  	s3 =	ssub.s32 s3, s18;
	s0 =	spop (v2sf);
	s4 =	sxor.u32 s21, s24  }
0x53: {  	s24 =	sshra.s32 s1, $0x1F;
	s5 =	sshra.s32 s0, $0x1F;
	s2 =	ssub.s32 s4, s21  }
0x54: {  	s1 =	sxor.u32 s24, s1;
	s0 =	sxor.u32 s5, s0;
	(drf) =	sdiv.u32 s2, s3  }
0x55: {  	s1 =	ssub.s32 s1, s24;
	s3 =	rddreg [dreg:$0xb];
	s0 =	ssub.s32 s0, s5  }
0x56: {  	(drf) =	sdiv.u32 s0, s1;
	s0 =	spop (v2sf)  }
0x57: {  	s1 =	sxor.u32 s3, s26;
	s3 =	spop (v2sf)  }
0x58: {  	s2 =	sxor.u32 s25, s31;
	s25 =	sshra.s32 s0, $0x1F;
	s26 =	sshra.s32 s3, $0x1F  }
0x59: {  	s0 =	sxor.u32 s25, s0;
	s3 =	sxor.u32 s26, s3  }
0x5a: {  	s4 =	spop (drf);
	s0 =	ssub.s32 s0, s25;
	s3 =	ssub.s32 s3, s26  }
0x5b: {  	s31 =	sxor.u32 s1, s4;
	s4 =	spop (drf);
	(drf) =	sdiv.u32 s3, s0  }
0x5c: {  	s0 =	ssub.s32 s31, s1;
	s31 =	sxor.u32 s2, s4;
	s3 =	rddreg [dreg:$0xc]  }
0x5d: {  	s4 =	rddreg [dreg:$0xd];
	s1 =	ssub.s32 s31, s2  }
0x5e: {  	s2 =	sxor.u32 s3, s4;
	s3 =	spop (drf);
	s31 =	rddreg [dreg:$0xe]  }
0x5f: {  	s28 =	sxor.u32 s29, s28;
	s4 =	sxor.u32 s31, s30;
	s30 =	spop (drf)  }
0x60: {  	s3 =	sxor.u32 s2, s3;
	s29 =	sxor.u32 s4, s30;
	s31 =	spop (drf)  }
0x61: {  	s2 =	ssub.s32 s3, s2;
	s3 =	ssub.s32 s29, s4;
	s31 =	sxor.u32 s28, s31  }
0x62: {  	s4 =	sxor.u32 s13, s14;
	s14 =	spop (drf);
	s29 =	sxor.u32 s22, s23  }
0x63: {  	vm1 =	vcmask $0x300;
	v12 =	vmov s1;
	s1 =	ssub.s32 s31, s28;
	s28 =	sxor.u32 s15, s19;
	s30 =	spop (drf)  }
0x64: {  	v12 =	vsel vm1, s0, v12;
	vm1 =	vcmask $0x704;
	s22 =	sxor.u32 s9, s11;
	s13 =	sxor.u32 s4, s14;
	s15 =	sxor.u32 s28, s30  }
0x65: {  	v12 =	vsel vm1, s2, v12;
	vm1 =	vcmask $0xB08;
	s31 =	spop (drf);
	s13 =	ssub.s32 s13, s4;
	s0 =	ssub.s32 s15, s28  }
0x66: {  	v12 =	vsel vm1, s3, v12;
	s2 =	sxor.u32 s29, s31;
	s15 =	sxor.u32 s20, s12;
	s19 =	spop (drf)  }
0x67: {  	v12 =	vsel vm3, s1, v12;
	s20 =	sxor.u32 s6, s7;
	s31 =	sxor.u32 s8, s10;
	s6 =	sxor.u32 s17, s16  }
0x68: {  	v12 =	vsel vm4, s13, v12;
	s12 =	sxor.u32 s18, s21;
	s16 =	sxor.u32 s25, s26;
	s23 =	spop (drf)  }
0x69: {  	s14 =	ssub.s32 s2, s29;
	v12 =	vsel vm5, s0, v12;
	s4 =	sxor.u32 s15, s19;
	s28 =	spop (drf)  }
0x6a: {  	vm2 =	vgt.s32 v11, $0x0;
	s7 =	sxor.u32 s20, s23;
	v12 =	vsel vm6, s14, v12;
	s29 =	ssub.s32 s4, s15;
	s14 =	sxor.u32 s24, s5  }
0x6b: {  	v13 =	vsel vm2, $0x1, v3;
	vm2 =	vgt.s32 v3, v9;
	s30 =	ssub.s32 s7, s20;
	s0 =	sxor.u32 s22, s28;
	v12 =	vsel vm7, s29, v12;
	s4 =	spop (drf)  }
0x6c: {  	v15 =	vadd.s32 $0xFFFFFFFF, v10;
	vm1 =	vlt.s32 v3, v9;
	s0 =	ssub.s32 s0, s22;
	v12 =	vsel vm8, s30, v12;
	s8 =	spop (drf);
	s3 =	sxor.u32 s31, s4  }
0x6d: {  	v11 =	vsel vm1, $0x1, v3;
	vm1 =	veq.s32 v9, $0x80000000;
	v12 =	vsel vm9, s0, v12;
	s9 =	ssub.s32 s3, s31;
	s10 =	sxor.u32 s6, s8;
	s13 =	spop (drf)  }
0x6e: {  	v14 =	vsel vm1, $0xFFFFFFFF, v3;
	v11 =	vsel vm2, $0xFFFFFFFF, v11;
	v12 =	vsel vm10, s9, v12;
	s11 =	ssub.s32 s10, s6;
	s1 =	sxor.u32 s12, s13;
	s15 =	spop (drf)  }
0x6f: {  	v13 =	vadd.s32 v14, v13;
	v14 =	vand.u32 v9, v15;
	v12 =	vsel vm11, s11, v12;
	s0 =	ssub.s32 s1, s12;
	s2 =	sxor.u32 s14, s15;
	s17 =	spop (drf)  }
0x70: {  	vm1 =	vne.s32 v11, v13;
	vm2 =	vne.s32 v14, $0x0;
	v12 =	vsel vm12, s0, v12;
	s18 =	ssub.s32 s2, s14;
	s19 =	sxor.u32 s16, s17  }
0x71: {  	vm1 =	vmand vm1, vm2;
	v11 =	vsel vm13, s18, v12;
	s20 =	ssub.s32 s19, s16  }
0x72: {  	v12 =	vsel vm1, $0xFFFFFFFF, v3;
	v11 =	vsel vm14, s20, v11  }
0x73: {  	v11 =	vadd.s32 v12, v11  }
0x74: {  	v11 =	vmul.u32 v1, v11;
	_ =	sdelay $0x1  }
0x75: {  	v10 =	vcvt.s32.f32 v10;
	v11 =	vcvt.s32.f32 v11;
	_ =	sdelay $0x1  }
0x76: {  	v10 =	vmul.f32 $3.125000000e-02, v10;
	v11 =	vadd.f32 $5.000000000e-01, v11;
	_ =	sdelay $0x1  }
0x77: {  	v10 =	vmul.f32 v11, v10;
	_ =	sdelay $0x1  }
0x78: {  	v9 =	vadd.s32 $0xFFFFFFFF, v9;
	v10 =	vadd.f32 $-5.000000000e-01, v10  }
0x79: {  	v11 =	vcvt.s32.f32 v9  }
0x7a: {  	v10 =	vmax.f32 v10, $0.0e+00  }
0x7b: {  	v10 =	vmin.f32 v11, v10  }
0x7c: {  	v11 =	vtrunc.f32 v10  }
0x7d: {  	v11 =	vcvt.f32.s32 v11;
	_ =	sdelay $0x1  }
0x7e: {  	v12 =	vadd.s32 $0x1, v11  }
0x7f: {  	vm1 =	vlt.s32 v12, v9  }
0x80: {  	v9 =	vsel vm1, v12, v9  }
0x81: {  	v9 =	vadd.s32 v2, v9  }
0x82: {  	v12 =	vperm.xlane v9, v4  }
0x83: {  	v13 =	vadd.s32 v11, v2  }
0x84: {  	v12 =	vsel vm15, v13, v12  }
0x85: {  	[tilespmem:$0x80] =	vst v12  }
0x86: {  	v12 =	vld [tilespmem:$0x80];
	_ =	sdelay $0x4  }
0x87: {  	v14 =	vshll.u32 v12, $0x1  }
0x88: {  	v12 =	vand.u32 $0x7, v12;
	v14 =	vand.u32 $0xFFFFFFF0, v14  }
0x89: {  	v12 =	vor.u32 v12, v14  }
0x8a: {  	v14 =	vperm.xlane v12, v5;
	_ =	sdelay $0x1  }
0x8b: {  	v12 =	vperm.xlane v12, v7;
	v14 =	vadd.s32 v6, v14  }
0x8c: {  	v13 =	vperm.xlane v13, v4  }
0x8d: {  	v12 =	vadd.s32 v6, v12  }
0x8e: {  	v9 =	vsel vm15, v13, v9  }
0x8f: {  	s21 =	rddreg [dreg:$0x0];
	s23 =	simm.s32 $0x0;
	s22 =	simm.s32 $0x180;
	[tilespmem:$0x100] =	vst v9  }
0x90: {  	[tilespmem:s22], [sflag:$0x1] =	stream.indirect_vreg.gather [hbm4b:s21+s23], $0x80, v14, vm0, $0xb8;
	[tilespmem:$0x3980] =	vst v63  }
0x91: {  	s24 =	simm.s32 $0x980  }
0x92: {  	[tilespmem:s24], [sflag:$0x1] =	stream.indirect_vreg.gather [hbm4b:s21+s23], $0x80, v12, vm0, $0xb8;
	[tilespmem:$0x3980] =	vst v63  }
0x93: {  	v9 =	vld [tilespmem:$0x100];
	_ =	sdelay $0x4  }
0x94: {  	v12 =	vshll.u32 v9, $0x1  }
0x95: {  	v9 =	vand.u32 $0x7, v9;
	v12 =	vand.u32 $0xFFFFFFF0, v12  }
0x96: {  	v9 =	vor.u32 v9, v12  }
0x97: {  	v12 =	vperm.xlane v9, v5;
	_ =	sdelay $0x1  }
0x98: {  	v9 =	vperm.xlane v9, v7;
	v12 =	vadd.s32 v6, v12  }
0x99: {  	v13 =	vlaneseq.u32 @!p0  }
0x9a: {  	v13 =	vmul.u32 @!p0 $0x80, v13;
	v9 =	vadd.s32 v6, v9;
	_ =	sdelay $0x1  }
0x9b: {  	s25 =	simm.s32 $0x1180  }
0x9c: {  	[tilespmem:s25], [sflag:$0x2] =	stream.indirect_vreg.gather [hbm4b:s21+s23], $0x80, v12, vm0, $0xb8;
	[tilespmem:$0x3980] =	vst v63  }
0x9d: {  	v8 =	vcvt.s32.f32 @!p0 v8;
	s26 =	simm.s32 $0x1980;
	s0 =	simm.s32 @!p0 $0x3180  }
0x9e: {  	[tilespmem:s26], [sflag:$0x2] =	stream.indirect_vreg.gather [hbm4b:s21+s23], $0x80, v9, vm0, $0xb8;
	[tilespmem:$0x3980] =	vst v63  }
0x9f: {  	s3 =	rddreg [dreg:$0x4];
	s1 =	simm.s32 @!p0 $0x400;
	s2 =	simm.s32 @!p0 $0x10400;
	[tilespmem:v13+s0+$0x0] =	vst.idx.msk @!p0 $0xffff, v8  }
0xa0: {  	[hbm4b:s3+s1] =	stream.strided.scatter @!p0 [tilespmem:s0], [sflag:$0x3], $0x800, s2, s1, $0x38;
	[tilespmem:$0x3980] =	vst v63  }
0xa1: {  	s0 =	simm.s32 @!p0 $0x3  }
0xa2: {  	_ =	swait.ge @!p0 [sflag:s0], $0x800  }
0xa3: {  	[sflag:s0] =	ssyncset.done @!p0 $0x0  }
0xa4: {  	s7 =	simm.s32 $0x1;
	[sflag:s0] =	ssyncadd.s32 @!p0 $0xFFFFF800  }
0xa5: {  	s28 =	simm.s32 $0x0;
	s29 =	simm.s32 $0x0;
	_ =	swait.ge [sflag:s7], $0x1000  }
0xa6: {  	s30 =	sand.u32 $0x400, s28;
	s0 =	sand.u32 $0x3FFFFF80, s29;
	[sflag:s7] =	ssyncset.done $0x0  }
0xa7: {  	s2 =	sadd.s32 s30, s0;
	[sflag:s7] =	ssyncadd.s32 $0xFFFFF000  }
0xa8: {  	v16 =	vld [tilespmem:s2+$0x1F0]  }
0xa9: {  	v12 =	vld [tilespmem:s2+$0x9F0]  }
0xaa: {  	v8 =	vcvt.s32.f32 v11;
	v14 =	vld [tilespmem:s2+$0x180]  }
0xab: {  	v13 =	vld [tilespmem:s2+$0x980]  }
0xac: {  	s31 =	simm.s32 $0x0;
	v8 =	vsub.f32 v10, v8;
	v11 =	vld [tilespmem:s2+$0x190]  }
0xad: {  	v9 =	vmov s31;
	v18 =	vld [tilespmem:s2+$0x990]  }
0xae: {  	v9 =	vperm.xlane v8, v9;
	v10 =	vld [tilespmem:s2+$0x1A0];
	v15 =	vsub.f32 v12, v16  }
0xaf: {  	v17 =	vld [tilespmem:s2+$0x9A0]  }
0xb0: {  	v12 =	vld [tilespmem:s2+$0x1B0];
	v19 =	vsub.f32 v13, v14;
	v21 =	vmul.f32 v15, v9  }
0xb1: {  	v15 =	vld [tilespmem:s2+$0x9B0]  }
0xb2: {  	v13 =	vld [tilespmem:s2+$0x1C0];
	v20 =	vsub.f32 v18, v11;
	v19 =	vmul.f32 v19, v9;
	v18 =	vadd.f32 v21, v16  }
0xb3: {  	s1 =	simm.s32 $0x0;
	s3 =	simm.s32 $0x0;
	s0 =	simm.s32 $0x21C0;
	v16 =	vld [tilespmem:s2+$0x9C0]  }
.LBB2_2:
0xb4: {  	s1 =	sadd.s32 $0x8, s1;
	v14 =	vadd.f32 v19, v14;
	v19 =	vmul.f32 v20, v9;
	v17 =	vsub.f32 v17, v10;
	v20 =	vld [tilespmem:s2+$0x1D0];
	[tilespmem:s0+$0x30] =	vst v18  }
0xb5: {  	s3 =	sadd.s32 $0x400, s3;
	s4 =	sshll.u32 s1, $0x3;
	p1 =	slt.u32 s1, $0x38;
	v18 =	vld [tilespmem:s2+$0x9D0]  }
0xb6: {  	s5 =	sand.u32 $0x400, s3;
	s4 =	sand.u32 $0x3FFFFF80, s4;
	[tilespmem:s0+$0xFFFFFFC0] =	vst v14;
	v11 =	vadd.f32 v19, v11;
	v14 =	vmul.f32 v17, v9;
	v15 =	vsub.f32 v15, v12;
	v19 =	vld [tilespmem:s2+$0x1E0]  }
0xb7: {  	v17 =	vld [tilespmem:s2+$0x9E0];
	s2 =	sadd.s32 s5, s4  }
0xb8: {  	v21 =	vld [tilespmem:s2+$0x1F0];
	[tilespmem:s0+$0xFFFFFFD0] =	vst v11;
	v10 =	vadd.f32 v14, v10;
	v11 =	vmul.f32 v15, v9;
	v15 =	vsub.f32 v16, v13  }
0xb9: {  	v16 =	vld [tilespmem:s2+$0x9F0]  }
0xba: {  	v14 =	vld [tilespmem:s2+$0x180];
	[tilespmem:s0+$0xFFFFFFE0] =	vst v10;
	v10 =	vadd.f32 v11, v12;
	v12 =	vmul.f32 v15, v9;
	v15 =	vsub.f32 v18, v20  }
0xbb: {  	v18 =	vld [tilespmem:s2+$0x980]  }
0xbc: {  	s4 =	sshrl.u32 s1, $0x4;
	v11 =	vld [tilespmem:s2+$0x190];
	[tilespmem:s0+$0xFFFFFFF0] =	vst v10;
	v12 =	vadd.f32 v12, v13;
	v13 =	vmul.f32 v15, v9;
	v15 =	vsub.f32 v17, v19  }
0xbd: {  	v17 =	vmov s4;
	v22 =	vld [tilespmem:s2+$0x990]  }
0xbe: {  	v10 =	vld [tilespmem:s2+$0x1A0];
	v16 =	vsub.f32 v16, v21;
	[tilespmem:s0+$0x0] =	vst v12;
	v15 =	vmul.f32 v15, v9;
	v9 =	vperm.xlane v8, v17  }
.Ltmp0:
0xbf: {  	v13 =	vadd.f32 v13, v20;
	v17 =	vld [tilespmem:s2+$0x9A0];
	(pc) =	sbr.rel @p1 .LBB2_2-.Ltmp0, $4  }
0xc0: {  	v18 =	vsub.f32 v18, v14;
	v12 =	vld [tilespmem:s2+$0x1B0];
	v16 =	vmul.f32 v16, v9;
	v23 =	vadd.f32 v15, v19  }
0xc1: {  	v15 =	vld [tilespmem:s2+$0x9B0];
	[tilespmem:s0+$0x10] =	vst v13  }
0xc2: {  	v19 =	vmul.f32 v18, v9;
	v20 =	vsub.f32 v22, v11;
	v13 =	vld [tilespmem:s2+$0x1C0];
	v18 =	vadd.f32 v16, v21;
	[tilespmem:s0+$0x20] =	vst v23  }
0xc3: {  	s0 =	sadd.s32 $0x80, s0;
	v16 =	vld [tilespmem:s2+$0x9C0]  }
0xc4: {  	v21 =	vld [tilespmem:s2+$0x1D0]  }
0xc5: {  	v22 =	vld [tilespmem:s2+$0x9D0]  }
0xc6: {  	v23 =	vld [tilespmem:s2+$0x1E0]  }
0xc7: {  	v24 =	vld [tilespmem:s2+$0x9E0]  }
0xc8: {  	v17 =	vsub.f32 v17, v10  }
0xc9: {  	v20 =	vmul.f32 v20, v9;
	v15 =	vsub.f32 v15, v12  }
0xca: {  	v14 =	vadd.f32 v19, v14;
	v17 =	vmul.f32 v17, v9;
	v16 =	vsub.f32 v16, v13  }
0xcb: {  	[tilespmem:s0+$0x30] =	vst v18;
	v11 =	vadd.f32 v20, v11;
	v15 =	vmul.f32 v15, v9;
	v18 =	vsub.f32 v22, v21  }
0xcc: {  	[tilespmem:s0+$0xFFFFFFC0] =	vst v14;
	v10 =	vadd.f32 v17, v10;
	v14 =	vmul.f32 v16, v9;
	v16 =	vsub.f32 v24, v23  }
0xcd: {  	[tilespmem:s0+$0xFFFFFFD0] =	vst v11;
	v11 =	vadd.f32 v15, v12;
	v12 =	vmul.f32 v18, v9  }
0xce: {  	[tilespmem:s0+$0xFFFFFFE0] =	vst v10;
	v10 =	vadd.f32 v14, v13;
	v9 =	vmul.f32 v16, v9  }
0xcf: {  	[tilespmem:s0+$0xFFFFFFF0] =	vst v11;
	v11 =	vadd.f32 v12, v21  }
0xd0: {  	[tilespmem:s0+$0x0] =	vst v10;
	v9 =	vadd.f32 v9, v23  }
0xd1: {  	[tilespmem:s0+$0x10] =	vst v11  }
0xd2: {  	s8 =	simm.s32 $0x80;
	s9 =	simm.s32 $0x400;
	s1 =	simm.s32 $0x2180;
	[tilespmem:s0+$0x20] =	vst v9  }
0xd3: {  	s26 =	simm.s32 $0x0;
	s28 =	simm.s32 $0x0;
	s0 =	rddreg [dreg:$0x5]  }
0xd4: {  	[hbm4b:s0+s8] =	stream.strided.scatter [tilespmem:s1], [sflag:$0x1], $0x400, s9, s8, $0x38;
	[tilespmem:$0x3980] =	vst v63  }
0xd5: {  	s2 =	sand.u32 $0x3FFFFF80, s28;
	s1 =	sand.u32 $0x400, s26  }
0xd6: {  	s2 =	sadd.s32 s1, s2  }
0xd7: {  	v9 =	vld [tilespmem:s2+$0xBF0]  }
0xd8: {  	v16 =	vld [tilespmem:s2+$0xB80]  }
0xd9: {  	s25 =	simm.s32 $0x0;
	v19 =	vld [tilespmem:s2+$0xB90]  }
0xda: {  	s0 =	sor.u32 $0x4, s25;
	v20 =	vld [tilespmem:s2+$0xBA0]  }
0xdb: {  	s3 =	sshll.u32 s0, $0x7;
	v21 =	vld [tilespmem:s2+$0xBB0]  }
0xdc: {  	s3 =	sand.u32 $0x3FFFFF80, s3;
	v23 =	vld [tilespmem:s2+$0xBC0]  }
0xdd: {  	v62 =	vld [tilespmem:s2+$0xBD0];
	s1 =	sadd.s32 s1, s3  }
0xde: {  	v10 =	vld [tilespmem:s1+$0x1F0]  }
0xdf: {  	v11 =	vld [tilespmem:s1+$0x180]  }
0xe0: {  	v12 =	vld [tilespmem:s1+$0x190]  }
0xe1: {  	v13 =	vld [tilespmem:s1+$0x1A0]  }
0xe2: {  	v14 =	vld [tilespmem:s1+$0x1B0]  }
0xe3: {  	v15 =	vld [tilespmem:s1+$0x1C0]  }
0xe4: {  	s29 =	simm.s32 $0x0;
	v17 =	vld [tilespmem:s1+$0x1D0]  }
0xe5: {  	s30 =	simm.s32 $0x40;
	s25 =	simm.s32 $0x400;
	v22 =	vmov s0;
	v18 =	vld [tilespmem:s1+$0x1E0];
	s1 =	sor.u32 $0x4, s29  }
0xe6: {  	s31 =	sand.u32 $0x400, s25;
	s0 =	sand.u32 $0x3FFFFF80, s30;
	v22 =	vperm.xlane v8, v22;
	s4 =	sshll.u32 s1, $0x7;
	v9 =	vsub.f32 v9, v10  }
0xe7: {  	s0 =	sadd.s32 s31, s0;
	v25 =	vld [tilespmem:s2+$0xBE0];
	s4 =	sand.u32 $0x3FFFFF80, s4;
	v16 =	vsub.f32 v16, v11  }
0xe8: {  	v26 =	vld [tilespmem:s0+$0xBF0];
	s3 =	sadd.s32 s31, s4;
	v19 =	vsub.f32 v19, v12;
	v20 =	vsub.f32 v20, v13;
	v9 =	vmul.f32 v9, v22  }
0xe9: {  	v27 =	vld [tilespmem:s3+$0x1F0];
	v21 =	vsub.f32 v21, v14;
	v23 =	vsub.f32 v23, v15;
	v16 =	vmul.f32 v16, v22  }
0xea: {  	v24 =	vsub.f32 v62, v17;
	v19 =	vmul.f32 v19, v22;
	v28 =	vadd.f32 v9, v10;
	v9 =	vld [tilespmem:s3+$0x180]  }
0xeb: {  	s2 =	simm.s32 $0x25F0;
	v20 =	vmul.f32 v20, v22;
	v21 =	vmul.f32 v21, v22;
	v16 =	vadd.f32 v16, v11;
	v10 =	vld [tilespmem:s3+$0x190]  }
0xec: {  	v25 =	vsub.f32 v25, v18;
	v23 =	vmul.f32 v23, v22;
	v19 =	vadd.f32 v19, v12;
	v11 =	vld [tilespmem:s3+$0x1A0];
	[tilespmem:s2+$0x0] =	vst v28  }
0xed: {  	v20 =	vadd.f32 v20, v13;
	v13 =	vmov s1;
	v12 =	vld [tilespmem:s3+$0x1B0];
	v21 =	vadd.f32 v21, v14;
	[tilespmem:s2+$0xFFFFFF90] =	vst v16  }
0xee: {  	v63 =	vsub.f32 v26, v27;
	v13 =	vperm.xlane v8, v13;
	[tilespmem:s2+$0xFFFFFFA0] =	vst v19;
	v19 =	vmul.f32 v24, v22;
	v16 =	vld [tilespmem:s3+$0x1C0]  }
0xef: {  	v14 =	vld [tilespmem:s3+$0x1D0];
	[tilespmem:s2+$0xFFFFFFB0] =	vst v20;
	v20 =	vadd.f32 v23, v15;
	v22 =	vmul.f32 v25, v22  }
0xf0: {  	[tilespmem:s2+$0xFFFFFFC0] =	vst v21;
	v15 =	vld [tilespmem:s3+$0x1E0];
	v21 =	vadd.f32 v19, v17;
	v19 =	vmul.f32 v63, v13  }
0xf1: {  	v17 =	vld [tilespmem:s0+$0xB80];
	[tilespmem:s2+$0xFFFFFFD0] =	vst v20;
	v20 =	vadd.f32 v22, v18  }
0xf2: {  	s10 =	simm.s32 $0x2;
	s1 =	simm.s32 $0x8;
	v18 =	vld [tilespmem:s0+$0xB90];
	v19 =	vadd.f32 v19, v27;
	[tilespmem:s2+$0xFFFFFFE0] =	vst v21  }
.LBB2_4:
0xf3: {  	s1 =	sadd.s32 $0x8, s1;
	v21 =	vld [tilespmem:s0+$0xBA0];
	[tilespmem:s2+$0xFFFFFFF0] =	vst v20;
	s2 =	sadd.s32 $0x80, s2;
	v20 =	vmov v16  }
0xf4: {  	s3 =	sshrl.u32 s1, $0x4;
	p1 =	slt.u32 s1, $0x38;
	v16 =	vld [tilespmem:s0+$0xBB0];
	[tilespmem:s2+$0x0] =	vst v19  }
0xf5: {  	s25 =	sadd.s32 $0x400, s25;
	s4 =	sshll.u32 s1, $0x3;
	s3 =	sor.u32 $0x4, s3;
	v19 =	vld [tilespmem:s0+$0xBC0]  }
0xf6: {  	s5 =	sand.u32 $0x400, s25;
	s4 =	sand.u32 $0x3FFFFF80, s4;
	s6 =	sshll.u32 s3, $0x7;
	v17 =	vsub.f32 v17, v9;
	v22 =	vld [tilespmem:s0+$0xBD0]  }
0xf7: {  	s6 =	sand.u32 $0x3FFFFF80, s6;
	v18 =	vsub.f32 v18, v10;
	v23 =	vld [tilespmem:s0+$0xBE0];
	s0 =	sadd.s32 s5, s4  }
0xf8: {  	s4 =	sadd.s32 s5, s6;
	v24 =	vld [tilespmem:s0+$0xBF0];
	v17 =	vmul.f32 v17, v13;
	v21 =	vsub.f32 v21, v11  }
0xf9: {  	v25 =	vld [tilespmem:s4+$0x1F0];
	v18 =	vmul.f32 v18, v13;
	v16 =	vsub.f32 v16, v12  }
0xfa: {  	v17 =	vadd.f32 v17, v9;
	v9 =	vld [tilespmem:s4+$0x180];
	v21 =	vmul.f32 v21, v13;
	v19 =	vsub.f32 v19, v20  }
0xfb: {  	v18 =	vadd.f32 v18, v10;
	v10 =	vld [tilespmem:s4+$0x190];
	v16 =	vmul.f32 v16, v13;
	v22 =	vsub.f32 v22, v14  }
0xfc: {  	[tilespmem:s2+$0xFFFFFF90] =	vst v17;
	v17 =	vadd.f32 v21, v11;
	v11 =	vld [tilespmem:s4+$0x1A0];
	v19 =	vmul.f32 v19, v13;
	v21 =	vsub.f32 v23, v15  }
0xfd: {  	v23 =	vmov s3;
	[tilespmem:s2+$0xFFFFFFA0] =	vst v18;
	v18 =	vadd.f32 v16, v12;
	v12 =	vld [tilespmem:s4+$0x1B0];
	v22 =	vmul.f32 v22, v13  }
.Ltmp1:
0xfe: {  	v16 =	vld [tilespmem:s4+$0x1C0];
	v24 =	vsub.f32 v24, v25;
	[tilespmem:s2+$0xFFFFFFB0] =	vst v17;
	v17 =	vmul.f32 v21, v13;
	v13 =	vperm.xlane v8, v23;
	(pc) =	sbr.rel @p1 .LBB2_4-.Ltmp1, $4  }
0xff: {  	[tilespmem:s2+$0xFFFFFFC0] =	vst v18;
	v18 =	vadd.f32 v19, v20;
	v21 =	vadd.f32 v22, v14;
	v14 =	vld [tilespmem:s4+$0x1D0]  }
0x100: {  	v19 =	vmul.f32 v24, v13;
	v20 =	vadd.f32 v17, v15;
	v15 =	vld [tilespmem:s4+$0x1E0]  }
0x101: {  	v17 =	vld [tilespmem:s0+$0xB80];
	[tilespmem:s2+$0xFFFFFFD0] =	vst v18  }
0x102: {  	v18 =	vld [tilespmem:s0+$0xB90];
	v19 =	vadd.f32 v19, v25;
	[tilespmem:s2+$0xFFFFFFE0] =	vst v21  }
0x103: {  	v21 =	vld [tilespmem:s0+$0xBA0]  }
0x104: {  	v22 =	vld [tilespmem:s0+$0xBB0]  }
0x105: {  	v23 =	vld [tilespmem:s0+$0xBC0]  }
0x106: {  	v24 =	vld [tilespmem:s0+$0xBD0];
	v17 =	vsub.f32 v17, v9  }
0x107: {  	v25 =	vld [tilespmem:s0+$0xBE0];
	v18 =	vsub.f32 v18, v10  }
0x108: {  	v17 =	vmul.f32 v17, v13;
	v21 =	vsub.f32 v21, v11  }
0x109: {  	v22 =	vsub.f32 v22, v12;
	v18 =	vmul.f32 v18, v13  }
0x10a: {  	[tilespmem:s2+$0xFFFFFFF0] =	vst v20;
	s28 =	sadd.s32 $0x80, s2;
	v20 =	vsub.f32 v23, v16;
	v9 =	vadd.f32 v17, v9;
	v17 =	vmul.f32 v21, v13  }
0x10b: {  	[tilespmem:s28+$0x0] =	vst v19;
	v19 =	vsub.f32 v24, v14;
	v10 =	vadd.f32 v18, v10;
	v18 =	vmul.f32 v22, v13  }
0x10c: {  	[tilespmem:s28+$0xFFFFFF90] =	vst v9;
	v9 =	vadd.f32 v17, v11;
	v11 =	vmul.f32 v20, v13;
	v17 =	vsub.f32 v25, v15  }
0x10d: {  	[tilespmem:s28+$0xFFFFFFA0] =	vst v10;
	v10 =	vadd.f32 v18, v12;
	v12 =	vmul.f32 v19, v13  }
0x10e: {  	[tilespmem:s28+$0xFFFFFFB0] =	vst v9;
	v9 =	vmul.f32 v17, v13;
	v11 =	vadd.f32 v11, v16  }
0x10f: {  	[tilespmem:s28+$0xFFFFFFC0] =	vst v10;
	v10 =	vadd.f32 v12, v14  }
0x110: {  	v9 =	vadd.f32 v9, v15;
	[tilespmem:s28+$0xFFFFFFD0] =	vst v11  }
0x111: {  	[tilespmem:s28+$0xFFFFFFE0] =	vst v10  }
0x112: {  	[tilespmem:s28+$0xFFFFFFF0] =	vst v9  }
0x113: {  	s1 =	simm.s32 $0x2580;
	s0 =	rddreg [dreg:$0x6]  }
0x114: {  	[hbm4b:s0+s8] =	stream.strided.scatter [tilespmem:s1], [sflag:$0x1], $0x400, s9, s8, $0x38;
	[tilespmem:$0x3980] =	vst v63  }
0x115: {  	s2 =	simm.s32 $0x0;
	s29 =	simm.s32 $0x0;
	_ =	swait.ge [sflag:s10], $0x1000  }
0x116: {  	s30 =	sand.u32 $0x400, s2;
	s0 =	sand.u32 $0x3FFFFF80, s29;
	[sflag:s10] =	ssyncset.done $0x0  }
0x117: {  	s3 =	sadd.s32 s30, s0;
	[sflag:s10] =	ssyncadd.s32 $0xFFFFF000  }
0x118: {  	v16 =	vld [tilespmem:s3+$0x11F0]  }
0x119: {  	v12 =	vld [tilespmem:s3+$0x19F0]  }
0x11a: {  	v14 =	vld [tilespmem:s3+$0x1180]  }
0x11b: {  	s31 =	simm.s32 $0x0;
	v13 =	vld [tilespmem:s3+$0x1980]  }
0x11c: {  	s0 =	sor.u32 $0x8, s31;
	v11 =	vld [tilespmem:s3+$0x1190]  }
0x11d: {  	v9 =	vmov s0;
	v18 =	vld [tilespmem:s3+$0x1990]  }
0x11e: {  	v9 =	vperm.xlane v8, v9;
	v10 =	vld [tilespmem:s3+$0x11A0];
	v15 =	vsub.f32 v12, v16  }
0x11f: {  	v17 =	vld [tilespmem:s3+$0x19A0]  }
0x120: {  	v12 =	vld [tilespmem:s3+$0x11B0];
	v19 =	vsub.f32 v13, v14;
	v21 =	vmul.f32 v15, v9  }
0x121: {  	v15 =	vld [tilespmem:s3+$0x19B0]  }
0x122: {  	v13 =	vld [tilespmem:s3+$0x11C0];
	v20 =	vsub.f32 v18, v11;
	v19 =	vmul.f32 v19, v9;
	v18 =	vadd.f32 v21, v16  }
0x123: {  	s1 =	simm.s32 $0x0;
	s0 =	simm.s32 $0x29F0;
	v16 =	vld [tilespmem:s3+$0x19C0]  }
.LBB2_6:
0x124: {  	s1 =	sadd.s32 $0x8, s1;
	v14 =	vadd.f32 v19, v14;
	v19 =	vmul.f32 v20, v9;
	v17 =	vsub.f32 v17, v10;
	v20 =	vld [tilespmem:s3+$0x11D0];
	[tilespmem:s0+$0x0] =	vst v18  }
0x125: {  	s2 =	sadd.s32 $0x400, s2;
	s4 =	sshll.u32 s1, $0x3;
	p1 =	slt.u32 s1, $0x38;
	v18 =	vld [tilespmem:s3+$0x19D0]  }
0x126: {  	s5 =	sand.u32 $0x400, s2;
	s4 =	sand.u32 $0x3FFFFF80, s4;
	[tilespmem:s0+$0xFFFFFF90] =	vst v14;
	v11 =	vadd.f32 v19, v11;
	v14 =	vmul.f32 v17, v9;
	v15 =	vsub.f32 v15, v12;
	v19 =	vld [tilespmem:s3+$0x11E0]  }
0x127: {  	v17 =	vld [tilespmem:s3+$0x19E0];
	s3 =	sadd.s32 s5, s4  }
0x128: {  	v21 =	vld [tilespmem:s3+$0x11F0];
	[tilespmem:s0+$0xFFFFFFA0] =	vst v11;
	v10 =	vadd.f32 v14, v10;
	v11 =	vmul.f32 v15, v9;
	v15 =	vsub.f32 v16, v13  }
0x129: {  	v16 =	vld [tilespmem:s3+$0x19F0]  }
0x12a: {  	v14 =	vld [tilespmem:s3+$0x1180];
	[tilespmem:s0+$0xFFFFFFB0] =	vst v10;
	v10 =	vadd.f32 v11, v12;
	v12 =	vmul.f32 v15, v9;
	v15 =	vsub.f32 v18, v20  }
0x12b: {  	s4 =	sshrl.u32 s1, $0x4;
	v18 =	vld [tilespmem:s3+$0x1980]  }
0x12c: {  	s4 =	sor.u32 $0x8, s4;
	v11 =	vld [tilespmem:s3+$0x1190];
	[tilespmem:s0+$0xFFFFFFC0] =	vst v10;
	v12 =	vadd.f32 v12, v13;
	v13 =	vmul.f32 v15, v9;
	v15 =	vsub.f32 v17, v19  }
0x12d: {  	v17 =	vmov s4;
	v22 =	vld [tilespmem:s3+$0x1990]  }
0x12e: {  	v10 =	vld [tilespmem:s3+$0x11A0];
	v16 =	vsub.f32 v16, v21;
	[tilespmem:s0+$0xFFFFFFD0] =	vst v12;
	v15 =	vmul.f32 v15, v9;
	v9 =	vperm.xlane v8, v17  }
.Ltmp2:
0x12f: {  	v13 =	vadd.f32 v13, v20;
	v17 =	vld [tilespmem:s3+$0x19A0];
	(pc) =	sbr.rel @p1 .LBB2_6-.Ltmp2, $4  }
0x130: {  	v18 =	vsub.f32 v18, v14;
	v12 =	vld [tilespmem:s3+$0x11B0];
	v16 =	vmul.f32 v16, v9;
	v23 =	vadd.f32 v15, v19  }
0x131: {  	v15 =	vld [tilespmem:s3+$0x19B0];
	[tilespmem:s0+$0xFFFFFFE0] =	vst v13  }
0x132: {  	v19 =	vmul.f32 v18, v9;
	v20 =	vsub.f32 v22, v11;
	v13 =	vld [tilespmem:s3+$0x11C0];
	v18 =	vadd.f32 v16, v21;
	[tilespmem:s0+$0xFFFFFFF0] =	vst v23  }
0x133: {  	s0 =	sadd.s32 $0x80, s0;
	v16 =	vld [tilespmem:s3+$0x19C0]  }
0x134: {  	v21 =	vld [tilespmem:s3+$0x11D0]  }
0x135: {  	v22 =	vld [tilespmem:s3+$0x19D0]  }
0x136: {  	v23 =	vld [tilespmem:s3+$0x11E0]  }
0x137: {  	v24 =	vld [tilespmem:s3+$0x19E0]  }
0x138: {  	v17 =	vsub.f32 v17, v10  }
0x139: {  	v20 =	vmul.f32 v20, v9;
	v15 =	vsub.f32 v15, v12  }
0x13a: {  	v14 =	vadd.f32 v19, v14;
	v17 =	vmul.f32 v17, v9;
	v16 =	vsub.f32 v16, v13  }
0x13b: {  	[tilespmem:s0+$0x0] =	vst v18;
	v11 =	vadd.f32 v20, v11;
	v15 =	vmul.f32 v15, v9;
	v18 =	vsub.f32 v22, v21  }
0x13c: {  	[tilespmem:s0+$0xFFFFFF90] =	vst v14;
	v10 =	vadd.f32 v17, v10;
	v14 =	vmul.f32 v16, v9;
	v16 =	vsub.f32 v24, v23  }
0x13d: {  	[tilespmem:s0+$0xFFFFFFA0] =	vst v11;
	v11 =	vadd.f32 v15, v12;
	v12 =	vmul.f32 v18, v9  }
0x13e: {  	[tilespmem:s0+$0xFFFFFFB0] =	vst v10;
	v10 =	vadd.f32 v14, v13;
	v9 =	vmul.f32 v16, v9  }
0x13f: {  	[tilespmem:s0+$0xFFFFFFC0] =	vst v11;
	v11 =	vadd.f32 v12, v21  }
0x140: {  	[tilespmem:s0+$0xFFFFFFD0] =	vst v10;
	v9 =	vadd.f32 v9, v23  }
0x141: {  	[tilespmem:s0+$0xFFFFFFE0] =	vst v11  }
0x142: {  	s1 =	simm.s32 $0x2980;
	[tilespmem:s0+$0xFFFFFFF0] =	vst v9  }
0x143: {  	s26 =	simm.s32 $0x0;
	s2 =	simm.s32 $0x0;
	s0 =	rddreg [dreg:$0x7]  }
0x144: {  	[hbm4b:s0+s8] =	stream.strided.scatter [tilespmem:s1], [sflag:$0x2], $0x400, s9, s8, $0x38;
	[tilespmem:$0x3980] =	vst v63  }
0x145: {  	s2 =	sand.u32 $0x3FFFFF80, s2;
	s1 =	sand.u32 $0x400, s26  }
0x146: {  	s2 =	sadd.s32 s1, s2  }
0x147: {  	v9 =	vld [tilespmem:s2+$0x13F0]  }
0x148: {  	v18 =	vld [tilespmem:s2+$0x1380]  }
0x149: {  	s25 =	simm.s32 $0x0;
	v19 =	vld [tilespmem:s2+$0x1390]  }
0x14a: {  	s0 =	sor.u32 $0xC, s25;
	v20 =	vld [tilespmem:s2+$0x13A0]  }
0x14b: {  	s28 =	sshll.u32 s0, $0x7;
	v21 =	vld [tilespmem:s2+$0x13B0]  }
0x14c: {  	s3 =	sand.u32 $0x380, s28;
	v23 =	vld [tilespmem:s2+$0x13C0]  }
0x14d: {  	v25 =	vld [tilespmem:s2+$0x13E0];
	s1 =	sor.u32 s1, s3  }
0x14e: {  	v10 =	vld [tilespmem:s1+$0x19F0]  }
0x14f: {  	v11 =	vld [tilespmem:s1+$0x1980]  }
0x150: {  	v12 =	vld [tilespmem:s1+$0x1990]  }
0x151: {  	v13 =	vld [tilespmem:s1+$0x19A0]  }
0x152: {  	v14 =	vld [tilespmem:s1+$0x19B0]  }
0x153: {  	v15 =	vld [tilespmem:s1+$0x19C0]  }
0x154: {  	s29 =	simm.s32 $0x0;
	v16 =	vld [tilespmem:s1+$0x19D0]  }
0x155: {  	s30 =	simm.s32 $0x40;
	s25 =	simm.s32 $0x400;
	v22 =	vmov s0;
	v17 =	vld [tilespmem:s1+$0x19E0];
	s1 =	sor.u32 $0xC, s29  }
0x156: {  	s31 =	sand.u32 $0x400, s25;
	s0 =	sand.u32 $0x3FFFFF80, s30;
	v22 =	vperm.xlane v8, v22;
	s4 =	sshll.u32 s1, $0x7;
	v10 =	vsub.f32 v10, v9  }
0x157: {  	v63 =	vld [tilespmem:s2+$0x13D0];
	s0 =	sadd.s32 s31, s0;
	s4 =	sand.u32 $0x380, s4;
	v11 =	vsub.f32 v11, v18;
	v12 =	vsub.f32 v12, v19  }
0x158: {  	v26 =	vld [tilespmem:s0+$0x13F0];
	s3 =	sor.u32 s31, s4;
	v13 =	vsub.f32 v13, v20;
	v14 =	vsub.f32 v14, v21;
	v10 =	vmul.f32 v10, v22  }
0x159: {  	v27 =	vld [tilespmem:s3+$0x19F0];
	v15 =	vsub.f32 v15, v23;
	v11 =	vmul.f32 v11, v22;
	v12 =	vmul.f32 v12, v22  }
0x15a: {  	v17 =	vsub.f32 v17, v25;
	v13 =	vmul.f32 v13, v22;
	v9 =	vadd.f32 v10, v9;
	v10 =	vld [tilespmem:s3+$0x1980]  }
0x15b: {  	s2 =	simm.s32 $0x2DF0;
	v14 =	vmul.f32 v14, v22;
	v18 =	vadd.f32 v11, v18;
	v19 =	vadd.f32 v12, v19;
	v12 =	vld [tilespmem:s3+$0x1990]  }
0x15c: {  	v11 =	vld [tilespmem:s3+$0x19A0];
	[tilespmem:s2+$0x0] =	vst v9;
	v9 =	vsub.f32 v16, v63;
	v16 =	vadd.f32 v13, v20  }
0x15d: {  	v20 =	vmul.f32 v15, v22;
	[tilespmem:s2+$0xFFFFFF90] =	vst v18;
	v15 =	vmov s1;
	v13 =	vld [tilespmem:s3+$0x19B0];
	v18 =	vadd.f32 v14, v21  }
0x15e: {  	[tilespmem:s2+$0xFFFFFFA0] =	vst v19;
	v14 =	vld [tilespmem:s3+$0x19C0];
	v21 =	vsub.f32 v27, v26;
	v19 =	vmul.f32 v9, v22;
	v9 =	vperm.xlane v8, v15  }
0x15f: {  	v17 =	vmul.f32 v17, v22;
	[tilespmem:s2+$0xFFFFFFB0] =	vst v16;
	v15 =	vld [tilespmem:s3+$0x19D0];
	v20 =	vadd.f32 v20, v23  }
0x160: {  	[tilespmem:s2+$0xFFFFFFC0] =	vst v18;
	v16 =	vld [tilespmem:s3+$0x19E0];
	v22 =	vadd.f32 v19, v63;
	v19 =	vmul.f32 v21, v9  }
0x161: {  	v18 =	vld [tilespmem:s0+$0x1380];
	[tilespmem:s2+$0xFFFFFFD0] =	vst v20;
	v20 =	vadd.f32 v17, v25  }
0x162: {  	s1 =	simm.s32 $0x8;
	v17 =	vld [tilespmem:s0+$0x1390];
	v19 =	vadd.f32 v19, v26;
	[tilespmem:s2+$0xFFFFFFE0] =	vst v22  }
.LBB2_8:
0x163: {  	s1 =	sadd.s32 $0x8, s1;
	v21 =	vld [tilespmem:s0+$0x13A0];
	[tilespmem:s2+$0xFFFFFFF0] =	vst v20;
	s2 =	sadd.s32 $0x80, s2  }
0x164: {  	s3 =	sshrl.u32 s1, $0x4;
	p1 =	slt.u32 s1, $0x38;
	v20 =	vld [tilespmem:s0+$0x13B0];
	[tilespmem:s2+$0x0] =	vst v19  }
0x165: {  	s25 =	sadd.s32 $0x400, s25;
	s4 =	sshll.u32 s1, $0x3;
	s3 =	sor.u32 $0xC, s3;
	v19 =	vld [tilespmem:s0+$0x13C0]  }
0x166: {  	s5 =	sand.u32 $0x400, s25;
	s4 =	sand.u32 $0x3FFFFF80, s4;
	s6 =	sshll.u32 s3, $0x7;
	v10 =	vsub.f32 v10, v18;
	v22 =	vld [tilespmem:s0+$0x13D0]  }
0x167: {  	s6 =	sand.u32 $0x380, s6;
	v12 =	vsub.f32 v12, v17;
	v23 =	vld [tilespmem:s0+$0x13E0];
	s0 =	sadd.s32 s5, s4  }
0x168: {  	s4 =	sor.u32 s5, s6;
	v24 =	vld [tilespmem:s0+$0x13F0];
	v25 =	vmul.f32 v10, v9;
	v11 =	vsub.f32 v11, v21  }
0x169: {  	v26 =	vld [tilespmem:s4+$0x19F0];
	v27 =	vmul.f32 v12, v9;
	v13 =	vsub.f32 v13, v20  }
0x16a: {  	v10 =	vld [tilespmem:s4+$0x1980];
	v18 =	vadd.f32 v25, v18;
	v25 =	vmul.f32 v11, v9;
	v14 =	vsub.f32 v14, v19  }
0x16b: {  	v12 =	vld [tilespmem:s4+$0x1990];
	v17 =	vadd.f32 v27, v17;
	v27 =	vmul.f32 v13, v9;
	v15 =	vsub.f32 v15, v22  }
0x16c: {  	v11 =	vld [tilespmem:s4+$0x19A0];
	[tilespmem:s2+$0xFFFFFF90] =	vst v18;
	v18 =	vadd.f32 v25, v21;
	v21 =	vmul.f32 v14, v9;
	v16 =	vsub.f32 v16, v23  }
0x16d: {  	v25 =	vmov s3;
	v13 =	vld [tilespmem:s4+$0x19B0];
	[tilespmem:s2+$0xFFFFFFA0] =	vst v17;
	v17 =	vadd.f32 v27, v20;
	v20 =	vmul.f32 v15, v9  }
.Ltmp3:
0x16e: {  	v14 =	vld [tilespmem:s4+$0x19C0];
	v26 =	vsub.f32 v26, v24;
	[tilespmem:s2+$0xFFFFFFB0] =	vst v18;
	v18 =	vmul.f32 v16, v9;
	v9 =	vperm.xlane v8, v25;
	(pc) =	sbr.rel @p1 .LBB2_8-.Ltmp3, $4  }
0x16f: {  	v15 =	vld [tilespmem:s4+$0x19D0];
	[tilespmem:s2+$0xFFFFFFC0] =	vst v17;
	v17 =	vadd.f32 v21, v19;
	v21 =	vadd.f32 v20, v22  }
0x170: {  	v16 =	vld [tilespmem:s4+$0x19E0];
	v19 =	vmul.f32 v26, v9;
	v20 =	vadd.f32 v18, v23  }
0x171: {  	v18 =	vld [tilespmem:s0+$0x1380];
	[tilespmem:s2+$0xFFFFFFD0] =	vst v17  }
0x172: {  	v17 =	vld [tilespmem:s0+$0x1390];
	v19 =	vadd.f32 v19, v24;
	[tilespmem:s2+$0xFFFFFFE0] =	vst v21  }
0x173: {  	v8 =	vld [tilespmem:s0+$0x13A0]  }
0x174: {  	v21 =	vld [tilespmem:s0+$0x13B0]  }
0x175: {  	v22 =	vld [tilespmem:s0+$0x13C0]  }
0x176: {  	v23 =	vld [tilespmem:s0+$0x13D0];
	v10 =	vsub.f32 v10, v18  }
0x177: {  	v24 =	vld [tilespmem:s0+$0x13E0];
	v12 =	vsub.f32 v12, v17  }
0x178: {  	v10 =	vmul.f32 v10, v9;
	v11 =	vsub.f32 v11, v8  }
0x179: {  	v13 =	vsub.f32 v13, v21;
	v12 =	vmul.f32 v12, v9  }
0x17a: {  	[tilespmem:s2+$0xFFFFFFF0] =	vst v20;
	s29 =	sadd.s32 $0x80, s2;
	v14 =	vsub.f32 v14, v22;
	v10 =	vadd.f32 v10, v18;
	v11 =	vmul.f32 v11, v9  }
0x17b: {  	[tilespmem:s29+$0x0] =	vst v19;
	v15 =	vsub.f32 v15, v23;
	v13 =	vmul.f32 v13, v9;
	v12 =	vadd.f32 v12, v17  }
0x17c: {  	v59 =	vsub.f32 v16, v24;
	v58 =	vmul.f32 v14, v9;
	[tilespmem:s29+$0xFFFFFF90] =	vst v10;
	v8 =	vadd.f32 v11, v8  }
0x17d: {  	v61 =	vmul.f32 v15, v9;
	v60 =	vadd.f32 v13, v21;
	[tilespmem:s29+$0xFFFFFFA0] =	vst v12  }
0x17e: {  	v62 =	vadd.f32 v58, v22;
	[tilespmem:s29+$0xFFFFFFB0] =	vst v8;
	v8 =	vmul.f32 v59, v9  }
0x17f: {  	v63 =	vadd.f32 v61, v23;
	[tilespmem:s29+$0xFFFFFFC0] =	vst v60  }
0x180: {  	[tilespmem:s29+$0xFFFFFFD0] =	vst v62;
	v8 =	vadd.f32 v8, v24  }
0x181: {  	[tilespmem:s29+$0xFFFFFFE0] =	vst v63  }
0x182: {  	[tilespmem:s29+$0xFFFFFFF0] =	vst v8  }
0x183: {  	s1 =	simm.s32 $0x2D80;
	s0 =	rddreg [dreg:$0x8]  }
0x184: {  	[hbm4b:s0+s8] =	stream.strided.scatter [tilespmem:s1], [sflag:$0x2], $0x400, s9, s8, $0x38;
	[tilespmem:$0x3980] =	vst v63  }
0x185: {  	_ =	swait.ge [sflag:s7], $0x400  }
0x186: {  	[sflag:s7] =	ssyncset.done $0x0  }
0x187: {  	[sflag:s7] =	ssyncadd.s32 $0xFFFFFC00  }
0x188: {  	_ =	swait.ge [sflag:s7], $0x400  }
0x189: {  	[sflag:s7] =	ssyncset.done $0x0  }
0x18a: {  	[sflag:s7] =	ssyncadd.s32 $0xFFFFFC00  }
0x18b: {  	_ =	swait.ge [sflag:s10], $0x400  }
0x18c: {  	[sflag:s10] =	ssyncset.done $0x0  }
0x18d: {  	[sflag:s10] =	ssyncadd.s32 $0xFFFFFC00  }
0x18e: {  	_ =	swait.ge [sflag:s10], $0x400  }
0x18f: {  	s30 =	rddreg [dreg:$0xa]  }
0x190: {  	s31 =	rddreg [dreg:$0x9];
	s1 =	sadd.s32 $0x1, s30  }
0x191: {  	p1 =	sne.s32 s1, s31  }
.Ltmp4:
0x192: {  	_ = 	snop;
	(pc) =	sbr.rel @p1 .LBB2_1-.Ltmp4, $3  }
0x193: {  	_ =	sdelay $0x1  }
0x194: {  	[sflag:s10] =	ssyncset.done $0x0  }
0x195: {  	[sflag:s10] =	ssyncadd.s32 $0xFFFFFC00  }
0x196: {  	_ =	sfence.sel $0x180000  }
0x197: {  	[bflag:$0x0] =	sbarrier.arrive $0xFFFF  }
0x198: {  	_ =	strace $0x90000047  }
0x199: {  	s0 =	stileid.u32;
	[bflag:$0x2] =	sbarrier.arrive $0xFFFF  }
0x19a: {  	p0 =	sne.s32 s0, $0x0;
	s0 =	rddreg [dreg:$0x3]  }
0x19b: {  	s0 =	sadd.s32 @!p0 $0x100000, s0  }
0x19c: {  	[sflag:s0] =	ssyncadd.tile.s32 @!p0 $0x1;
	_ =	shalt  }
.Lfunc_end2:
_tile_overlayer_lowered:
.L_overlay_start_2:
0x19d: {  	(tag) =	ssettag $0x2  }
0x19e: {  	s0 =	rddreg [dreg:$0x0];
	s2 =	stileid.u32  }
0x19f: {  	s1 =	rddreg [dreg:$0x1];
	p0 =	sne.s32 s2, $0x0  }
0x1a0: {  	s3 =	rddreg [dreg:$0x2];
	[bflag:$0x3] =	sbarrier.arrive $0xFFFF;
	s2 =	simm.s32 @!p0 $0x1C03  }
0x1a1: {  	[timem:s3], [sflag:s2] =	dma.local @!p0 [hbm:s0], s1  }
0x1a2: {  	s0 =	simm.s32 @!p0 $0x3  }
0x1a3: {  	_ =	swait.ge @!p0 [sflag:s0], s1  }
0x1a4: {  	s1 =	ssub.s32 @!p0 $0x0, s1;
	[sflag:s0] =	ssyncset.done @!p0 $0x0  }
0x1a5: {  	[sflag:s0] =	ssyncadd.s32 @!p0 s1  }
0x1a6: {  	[bflag:$0x3] =	sbarrier.arrive $0xFFFF  }
0x1a7: {  	_ =	shalt  }

</sc_bundles>
